<compile_context>
chip_gen: v7x
topology: tpu7x:2x2x1
jax: 0.10.2.dev20260603
libtpu: 0.0.44.dev20260713+nightly
codegen_flags: <defaults>
</compile_context>

<pallas_src>
import functools

import jax
import jax.numpy as jnp
from jax import lax
from jax.experimental import pallas as pl
from jax.experimental.pallas import tpu as pltpu
from jax.experimental.pallas import tpu_sc as plsc

N_NODES = 10000
N_EDGES = 320000
D_FEAT = 128
D_HID = 64
D_TGT = 64

NC = 2
NS = 16
NW = NC * NS
K = 128
CHUNKS = 78
N_EXTRA = (N_EDGES - NW * CHUNKS * K) // K
SLAB = CHUNKS * K
ROWS_PER_SUB = N_NODES // NS
WB_CHUNK = 125
WB_ITERS = ROWS_PER_SUB // WB_CHUNK


def _head_body(f_ref, w_ref, b_ref, o_ref):
    o_ref[...] = jnp.maximum(
        jnp.dot(f_ref[...], w_ref[...], preferred_element_type=jnp.float32)
        + b_ref[...], 0.0)


D_PAD = 128


def _head(feature, W0, b0):
    return pl.pallas_call(
        _head_body,
        grid=(5,),
        in_specs=[
            pl.BlockSpec((2000, D_FEAT), lambda i: (i, 0)),
            pl.BlockSpec((D_FEAT, D_HID), lambda i: (0, 0)),
            pl.BlockSpec((1, D_HID), lambda i: (0, 0)),
        ],
        out_specs=pl.BlockSpec((2000, D_HID), lambda i: (i, 0)),
        out_shape=jax.ShapeDtypeStruct((N_NODES, D_HID), jnp.float32),
    )(feature, W0, b0.reshape(1, D_HID))


def _seg_body(h0_hbm, ei_hbm, out_hbm, srcv, dstv, srcx, dstx, rows_a, rows_b,
              zbuf, agg, sem_a, sem_b):
    c = lax.axis_index("c")
    s = lax.axis_index("s")
    wid = s * NC + c
    my_e0 = wid * SLAB
    my_row0 = s * ROWS_PER_SUB

    def zero_row(i, carry):
        for cc in range(D_PAD // 16):
            zbuf[i, pl.ds(cc * 16, 16)] = jnp.zeros((16,), jnp.float32)
        return carry
    lax.fori_loop(0, WB_CHUNK, zero_row, 0)

    zvalid = zbuf.at[:, pl.ds(0, D_HID)]

    def zero_slab(p, carry):
        pltpu.sync_copy(zvalid, agg.at[pl.ds(my_row0 + p * WB_CHUNK, WB_CHUNK)])
        return carry
    lax.fori_loop(0, WB_ITERS, zero_slab, 0)

    pltpu.sync_copy(ei_hbm.at[0, pl.ds(my_e0, SLAB)], srcv)
    pltpu.sync_copy(ei_hbm.at[1, pl.ds(my_e0, SLAB)], dstv)
    extra0 = NW * CHUNKS * K + wid * K

    @pl.when(wid < N_EXTRA)
    def _():
        pltpu.sync_copy(ei_hbm.at[0, pl.ds(extra0, K)], srcx)
        pltpu.sync_copy(ei_hbm.at[1, pl.ds(extra0, K)], dstx)

    plsc.subcore_barrier()

    def sidx(j):
        return srcv.at[pl.ds(j * K, K)]

    def didx(j):
        return dstv.at[pl.ds(j * K, K)]

    pltpu.async_copy(h0_hbm.at[sidx(0)], rows_a, sem_a)

    def edge_pair(i, carry):
        pltpu.async_copy(h0_hbm.at[sidx(2 * i + 1)], rows_b, sem_b)
        pltpu.make_async_copy(h0_hbm.at[sidx(2 * i)], rows_a, sem_a).wait()
        pltpu.sync_copy(rows_a, agg.at[didx(2 * i)], add=True)

        @pl.when(i < CHUNKS // 2 - 1)
        def _():
            pltpu.async_copy(h0_hbm.at[sidx(2 * i + 2)], rows_a, sem_a)
        pltpu.make_async_copy(h0_hbm.at[sidx(2 * i + 1)], rows_b, sem_b).wait()
        pltpu.sync_copy(rows_b, agg.at[didx(2 * i + 1)], add=True)
        return carry
    lax.fori_loop(0, CHUNKS // 2, edge_pair, 0)

    @pl.when(wid < N_EXTRA)
    def _():
        pltpu.async_copy(h0_hbm.at[srcx], rows_a, sem_a)
        pltpu.make_async_copy(h0_hbm.at[srcx], rows_a, sem_a).wait()
        pltpu.sync_copy(rows_a, agg.at[dstx], add=True)

    plsc.subcore_barrier()

    def writeback(p, carry):
        r0 = my_row0 + p * WB_CHUNK
        pltpu.sync_copy(agg.at[pl.ds(r0, WB_CHUNK)], zvalid)
        pltpu.sync_copy(zbuf, out_hbm.at[c, pl.ds(r0, WB_CHUNK)])
        return carry
    lax.fori_loop(0, WB_ITERS, writeback, 0)


_seg_sum = functools.partial(
    pl.kernel,
    out_type=jax.ShapeDtypeStruct((NC, N_NODES, D_PAD), jnp.float32),
    mesh=plsc.VectorSubcoreMesh(core_axis_name="c", subcore_axis_name="s",
                                num_cores=NC, num_subcores=NS),
    compiler_params=pltpu.CompilerParams(use_tc_tiling_on_sc=False),
    scratch_types=[
        pltpu.VMEM((SLAB,), jnp.int32),
        pltpu.VMEM((SLAB,), jnp.int32),
        pltpu.VMEM((K,), jnp.int32),
        pltpu.VMEM((K,), jnp.int32),
        pltpu.VMEM((K, D_HID), jnp.float32),
        pltpu.VMEM((K, D_HID), jnp.float32),
        pltpu.VMEM((WB_CHUNK, D_PAD), jnp.float32),
        pltpu.VMEM_SHARED((N_NODES, D_HID), jnp.float32),
        pltpu.SemaphoreType.DMA,
        pltpu.SemaphoreType.DMA,
    ],
)(_seg_body)


TB = 2000
NTB = N_NODES // TB


def _tail_body(h0_ref, parts_ref, w1_ref, b1_ref, w2_ref, b2_ref,
               w3_ref, b3_ref, g_ref, be_ref, o_ref, s1_ref, s2_ref):
    i = pl.program_id(0)

    @pl.when(i < NTB)
    def _():
        h0b = h0_ref[...]
        x = jnp.pad(h0b, ((0, 0), (0, D_PAD - D_HID))) + parts_ref[0] + parts_ref[1]
        h1 = jnp.maximum(
            jnp.dot(x, w1_ref[...], preferred_element_type=jnp.float32)
            + b1_ref[...], 0.0)
        h2 = (jnp.dot(h1, w2_ref[...], preferred_element_type=jnp.float32)
              + b2_ref[...])
        t = (jnp.dot(h2, w3_ref[...], preferred_element_type=jnp.float32)
             + b3_ref[...])
        o_ref[pl.ds(i * TB, TB), :] = t
        ps = jnp.sum(t, axis=0, keepdims=True)
        pss = jnp.sum(t * t, axis=0, keepdims=True)

        @pl.when(i == 0)
        def _():
            s1_ref[...] = jnp.zeros_like(s1_ref)
            s2_ref[...] = jnp.zeros_like(s2_ref)
        s1_ref[...] += ps
        s2_ref[...] += pss

    @pl.when(i == NTB)
    def _():
        mean = s1_ref[...] * (1.0 / N_NODES)
        var = s2_ref[...] * (1.0 / N_NODES) - mean * mean
        scale = g_ref[...] * lax.rsqrt(var + 1e-5)
        shift = be_ref[...] - mean * scale
        o_ref[...] = o_ref[...] * scale + shift


def _tail(h0, parts, W1, b1, W2, b2, W3, b3, gamma, beta):
    W1p = jnp.pad(W1, ((0, D_PAD - D_HID), (0, 0)))
    blk = lambda i: (jnp.minimum(i, NTB - 1), 0)
    blk3 = lambda i: (0, jnp.minimum(i, NTB - 1), 0)
    full = lambda i: (0, 0)
    return pl.pallas_call(
        _tail_body,
        grid=(NTB + 1,),
        in_specs=[
            pl.BlockSpec((TB, D_HID), blk),
            pl.BlockSpec((NC, TB, D_PAD), blk3),
            pl.BlockSpec((D_PAD, D_HID), full),
            pl.BlockSpec((1, D_HID), full),
            pl.BlockSpec((D_HID, D_HID), full),
            pl.BlockSpec((1, D_HID), full),
            pl.BlockSpec((D_HID, D_TGT), full),
            pl.BlockSpec((1, D_TGT), full),
            pl.BlockSpec((1, D_TGT), full),
            pl.BlockSpec((1, D_TGT), full),
        ],
        out_specs=pl.BlockSpec((N_NODES, D_TGT), full),
        out_shape=jax.ShapeDtypeStruct((N_NODES, D_TGT), jnp.float32),
        scratch_shapes=[
            pltpu.VMEM((1, D_TGT), jnp.float32),
            pltpu.VMEM((1, D_TGT), jnp.float32),
        ],
    )(h0, parts, W1p, b1.reshape(1, D_HID), W2, b2.reshape(1, D_HID),
      W3, b3.reshape(1, D_TGT), gamma.reshape(1, D_TGT), beta.reshape(1, D_TGT))


def kernel(feature, edge_index, W0, b0, W1, b1, W2, b2, W3, b3, gamma, beta):
    ei = edge_index.astype(jnp.int32)
    h0 = _head(feature, W0, b0)
    parts = _seg_sum(h0, ei)
    return _tail(h0, parts, W1, b1, W2, b2, W3, b3, gamma, beta)

# --- scband reference (transcript-rebuilt; emitter-appended) ---
"""Pipeline reference for scband-importance-score-arch-12953621365187 (READ-ONLY COPY).

The authoritative reference and input builder live on the scoring server;
editing this copy changes nothing except your own understanding.
"""

import jax, jax.numpy as jnp
import numpy as np

N_NODES = 10000
N_EDGES = 320000
D_FEAT = 128
D_HID = 64
D_TGT = 64


def setup_inputs(seed: int = 0) -> dict:
    key = jax.random.key(seed)
    ks = jax.random.split(key, 12)
    feature = jax.random.normal(ks[0], (N_NODES, D_FEAT), dtype=jnp.float32)
    edge_index = jax.random.randint(ks[1], (2, N_EDGES), 0, N_NODES, dtype=jnp.int64)
    # head: Linear(dim_features -> layers[0])
    W0 = jax.random.normal(ks[2], (D_FEAT, D_HID), dtype=jnp.float32) * (1.0 / np.sqrt(D_FEAT))
    b0 = jnp.zeros((D_HID,), dtype=jnp.float32)
    # GINConv internal block: Linear(layers[0] -> layers[1])
    W1 = jax.random.normal(ks[3], (D_HID, D_HID), dtype=jnp.float32) * (1.0 / np.sqrt(D_HID))
    b1 = jnp.zeros((D_HID,), dtype=jnp.float32)
    # post-conv linear: Linear(layers[1] -> layers[1])
    W2 = jax.random.normal(ks[4], (D_HID, D_HID), dtype=jnp.float32) * (1.0 / np.sqrt(D_HID))
    b2 = jnp.zeros((D_HID,), dtype=jnp.float32)
    # tail: Linear(layers[-1] -> dim_target) + BatchNorm1d(dim_target)
    W3 = jax.random.normal(ks[5], (D_HID, D_TGT), dtype=jnp.float32) * (1.0 / np.sqrt(D_HID))
    b3 = jnp.zeros((D_TGT,), dtype=jnp.float32)
    gamma = jnp.ones((D_TGT,), dtype=jnp.float32)
    beta = jnp.zeros((D_TGT,), dtype=jnp.float32)
    return {"feature": feature, "edge_index": edge_index, "W0": W0, "b0": b0,
            "W1": W1, "b1": b1, "W2": W2, "b2": b2, "W3": W3, "b3": b3,
            "gamma": gamma, "beta": beta}


def reference(feature, edge_index, W0, b0, W1, b1, W2, b2, W3, b3, gamma, beta):
    # head block: Linear + ReLU (+ Dropout p=0.0 -> identity)
    h = jax.nn.relu(feature @ W0 + b0)
    # GINConv (eps=0): nn((1+eps)*x + sum_{j in N(i)} x_j)
    src = edge_index[0]
    dst = edge_index[1]
    msgs = jnp.take(h, src, axis=0)                      # gather (SparseCore)
    agg = jax.ops.segment_sum(msgs, dst, num_segments=h.shape[0])  # scatter-add
    h = jax.nn.relu((h + agg) @ W1 + b1)                 # GIN internal block (Linear+ReLU+Dropout)
    # post-conv plain Linear
    h = h @ W2 + b2
    # tail: Linear + BatchNorm1d (training-mode batch stats, eps=1e-5)
    out = h @ W3 + b3
    mean = jnp.mean(out, axis=0)
    var = jnp.var(out, axis=0)
    out = (out - mean) / jnp.sqrt(var + 1e-5) * gamma + beta
    return out

if __name__ == "__main__":
    import jax
    _d = setup_inputs()
    print(jax.jit(kernel)(*tuple(_d.values())))

</pallas_src>

<mosaic_0001>
#map = affine_map<(d0, d1) -> (0, 0)>
#map1 = affine_map<(d0, d1) -> (0, 0, 0)>
module attributes {stable_mosaic.version = 14 : i64} {
  func.func @_seg_body(%arg0: i32, %arg1: i32, %arg2: memref<10000x64xf32, #tpu.memory_space<hbm>>, %arg3: memref<2x320000xi32, #tpu.memory_space<hbm>>, %arg4: memref<2x10000x128xf32, #tpu.memory_space<hbm>>, %arg5: memref<9984xi32, #tpu.memory_space<vmem>>, %arg6: memref<9984xi32, #tpu.memory_space<vmem>>, %arg7: memref<128xi32, #tpu.memory_space<vmem>>, %arg8: memref<128xi32, #tpu.memory_space<vmem>>, %arg9: memref<128x64xf32, #tpu.memory_space<vmem>>, %arg10: memref<128x64xf32, #tpu.memory_space<vmem>>, %arg11: memref<125x128xf32, #tpu.memory_space<vmem>>, %arg12: memref<10000x64xf32, #tpu.memory_space<vmem_shared>>, %arg13: memref<!tpu.dma_semaphore, #tpu.memory_space<semaphore_mem>>, %arg14: memref<!tpu.dma_semaphore, #tpu.memory_space<semaphore_mem>>) attributes {dimension_semantics = [#tpu.dimension_semantics<core_parallel>, #tpu.dimension_semantics<subcore_parallel>], iteration_bounds = array<i64: 2, 16>, scalar_prefetch = 0 : i64, scratch_operands = 10 : i64, tpu.core_type = #tpu.core_type<sc_vector_subcore>, window_params = [{transform_indices = #map}, {transform_indices = #map}, {transform_indices = #map1}]} {
    %mul3A = arith.constant 2 : i32
    %mul3A_0 = arith.muli %arg1, %mul3A : i32
    %add3A = arith.addi %mul3A_0, %arg0 : i32
    %mul3A_1 = arith.constant 9984 : i32
    %mul3A_2 = arith.muli %add3A, %mul3A_1 : i32
    %mul3A_3 = arith.constant 625 : i32
    %mul3A_4 = arith.muli %arg1, %mul3A_3 : i32
    %scan3A = arith.constant 0 : i32
    %scan3A_5 = arith.constant 0 : i32
    %scan3A_6 = arith.constant 125 : i32
    %scan3A_7 = arith.addi %scan3A_5, %scan3A_6 : i32
    %scan3A_8 = arith.constant 1 : i32
    scf.for %scan3A_45 = %scan3A_5 to %scan3A_7 step %scan3A_8  : i32 {
      %broadcast_in_dim3A = arith.constant 0.000000e+00 : f32
      %broadcast_in_dim3A_46 = vector.broadcast %broadcast_in_dim3A : f32 to vector<16xf32>
      %swap3A = arith.index_cast %scan3A_45 : i32 to index
      %swap3A_47 = arith.constant 0 : index
      %swap3A_48 = tpu.vector_load %arg11[%swap3A, %swap3A_47] {strides = array<i32>} : memref<125x128xf32, #tpu.memory_space<vmem>>, vector<1x16xf32>,
      %swap3A_49 = vector.shape_cast %swap3A_48 : vector<1x16xf32> to vector<16xf32>
      %swap3A_50 = vector.shape_cast %broadcast_in_dim3A_46 : vector<16xf32> to vector<1x16xf32>
      tpu.vector_store %arg11[%swap3A, %swap3A_47], %swap3A_50 {strides = array<i32>} : memref<125x128xf32, #tpu.memory_space<vmem>>, vector<1x16xf32>,
      %broadcast_in_dim3A_51 = arith.constant 0.000000e+00 : f32
      %broadcast_in_dim3A_52 = vector.broadcast %broadcast_in_dim3A_51 : f32 to vector<16xf32>
      %swap3A_53 = arith.index_cast %scan3A_45 : i32 to index
      %swap3A_54 = arith.constant 16 : index
      %swap3A_55 = tpu.vector_load %arg11[%swap3A_53, %swap3A_54] {strides = array<i32>} : memref<125x128xf32, #tpu.memory_space<vmem>>, vector<1x16xf32>,
      %swap3A_56 = vector.shape_cast %swap3A_55 : vector<1x16xf32> to vector<16xf32>
      %swap3A_57 = vector.shape_cast %broadcast_in_dim3A_52 : vector<16xf32> to vector<1x16xf32>
      tpu.vector_store %arg11[%swap3A_53, %swap3A_54], %swap3A_57 {strides = array<i32>} : memref<125x128xf32, #tpu.memory_space<vmem>>, vector<1x16xf32>,
      %broadcast_in_dim3A_58 = arith.constant 0.000000e+00 : f32
      %broadcast_in_dim3A_59 = vector.broadcast %broadcast_in_dim3A_58 : f32 to vector<16xf32>
      %swap3A_60 = arith.index_cast %scan3A_45 : i32 to index
      %swap3A_61 = arith.constant 32 : index
      %swap3A_62 = tpu.vector_load %arg11[%swap3A_60, %swap3A_61] {strides = array<i32>} : memref<125x128xf32, #tpu.memory_space<vmem>>, vector<1x16xf32>,
      %swap3A_63 = vector.shape_cast %swap3A_62 : vector<1x16xf32> to vector<16xf32>
      %swap3A_64 = vector.shape_cast %broadcast_in_dim3A_59 : vector<16xf32> to vector<1x16xf32>
      tpu.vector_store %arg11[%swap3A_60, %swap3A_61], %swap3A_64 {strides = array<i32>} : memref<125x128xf32, #tpu.memory_space<vmem>>, vector<1x16xf32>,
      %broadcast_in_dim3A_65 = arith.constant 0.000000e+00 : f32
      %broadcast_in_dim3A_66 = vector.broadcast %broadcast_in_dim3A_65 : f32 to vector<16xf32>
      %swap3A_67 = arith.index_cast %scan3A_45 : i32 to index
      %swap3A_68 = arith.constant 48 : index
      %swap3A_69 = tpu.vector_load %arg11[%swap3A_67, %swap3A_68] {strides = array<i32>} : memref<125x128xf32, #tpu.memory_space<vmem>>, vector<1x16xf32>,
      %swap3A_70 = vector.shape_cast %swap3A_69 : vector<1x16xf32> to vector<16xf32>
      %swap3A_71 = vector.shape_cast %broadcast_in_dim3A_66 : vector<16xf32> to vector<1x16xf32>
      tpu.vector_store %arg11[%swap3A_67, %swap3A_68], %swap3A_71 {strides = array<i32>} : memref<125x128xf32, #tpu.memory_space<vmem>>, vector<1x16xf32>,
      %broadcast_in_dim3A_72 = arith.constant 0.000000e+00 : f32
      %broadcast_in_dim3A_73 = vector.broadcast %broadcast_in_dim3A_72 : f32 to vector<16xf32>
      %swap3A_74 = arith.index_cast %scan3A_45 : i32 to index
      %swap3A_75 = arith.constant 64 : index
      %swap3A_76 = tpu.vector_load %arg11[%swap3A_74, %swap3A_75] {strides = array<i32>} : memref<125x128xf32, #tpu.memory_space<vmem>>, vector<1x16xf32>,
      %swap3A_77 = vector.shape_cast %swap3A_76 : vector<1x16xf32> to vector<16xf32>
      %swap3A_78 = vector.shape_cast %broadcast_in_dim3A_73 : vector<16xf32> to vector<1x16xf32>
      tpu.vector_store %arg11[%swap3A_74, %swap3A_75], %swap3A_78 {strides = array<i32>} : memref<125x128xf32, #tpu.memory_space<vmem>>, vector<1x16xf32>,
      %broadcast_in_dim3A_79 = arith.constant 0.000000e+00 : f32
      %broadcast_in_dim3A_80 = vector.broadcast %broadcast_in_dim3A_79 : f32 to vector<16xf32>
      %swap3A_81 = arith.index_cast %scan3A_45 : i32 to index
      %swap3A_82 = arith.constant 80 : index
      %swap3A_83 = tpu.vector_load %arg11[%swap3A_81, %swap3A_82] {strides = array<i32>} : memref<125x128xf32, #tpu.memory_space<vmem>>, vector<1x16xf32>,
      %swap3A_84 = vector.shape_cast %swap3A_83 : vector<1x16xf32> to vector<16xf32>
      %swap3A_85 = vector.shape_cast %broadcast_in_dim3A_80 : vector<16xf32> to vector<1x16xf32>
      tpu.vector_store %arg11[%swap3A_81, %swap3A_82], %swap3A_85 {strides = array<i32>} : memref<125x128xf32, #tpu.memory_space<vmem>>, vector<1x16xf32>,
      %broadcast_in_dim3A_86 = arith.constant 0.000000e+00 : f32
      %broadcast_in_dim3A_87 = vector.broadcast %broadcast_in_dim3A_86 : f32 to vector<16xf32>
      %swap3A_88 = arith.index_cast %scan3A_45 : i32 to index
      %swap3A_89 = arith.constant 96 : index
      %swap3A_90 = tpu.vector_load %arg11[%swap3A_88, %swap3A_89] {strides = array<i32>} : memref<125x128xf32, #tpu.memory_space<vmem>>, vector<1x16xf32>,
      %swap3A_91 = vector.shape_cast %swap3A_90 : vector<1x16xf32> to vector<16xf32>
      %swap3A_92 = vector.shape_cast %broadcast_in_dim3A_87 : vector<16xf32> to vector<1x16xf32>
      tpu.vector_store %arg11[%swap3A_88, %swap3A_89], %swap3A_92 {strides = array<i32>} : memref<125x128xf32, #tpu.memory_space<vmem>>, vector<1x16xf32>,
      %broadcast_in_dim3A_93 = arith.constant 0.000000e+00 : f32
      %broadcast_in_dim3A_94 = vector.broadcast %broadcast_in_dim3A_93 : f32 to vector<16xf32>
      %swap3A_95 = arith.index_cast %scan3A_45 : i32 to index
      %swap3A_96 = arith.constant 112 : index
      %swap3A_97 = tpu.vector_load %arg11[%swap3A_95, %swap3A_96] {strides = array<i32>} : memref<125x128xf32, #tpu.memory_space<vmem>>, vector<1x16xf32>,
      %swap3A_98 = vector.shape_cast %swap3A_97 : vector<1x16xf32> to vector<16xf32>
      %swap3A_99 = vector.shape_cast %broadcast_in_dim3A_94 : vector<16xf32> to vector<1x16xf32>
      tpu.vector_store %arg11[%swap3A_95, %swap3A_96], %swap3A_99 {strides = array<i32>} : memref<125x128xf32, #tpu.memory_space<vmem>>, vector<1x16xf32>,
    }
    %scan3A_9 = arith.constant 125 : i32
    %scan3A_10 = arith.constant 0 : i32
    %scan3A_11 = arith.constant 0 : i32
    %scan3A_12 = arith.constant 5 : i32
    %scan3A_13 = arith.addi %scan3A_11, %scan3A_12 : i32
    %scan3A_14 = arith.constant 1 : i32
    scf.for %scan3A_45 = %scan3A_11 to %scan3A_13 step %scan3A_14  : i32 {
      %mul3A_46 = arith.constant 125 : i32
      %mul3A_47 = arith.muli %scan3A_45, %mul3A_46 : i32
      %add3A_48 = arith.addi %mul3A_4, %mul3A_47 : i32
      "tpu.region"() ({
        %run_scoped3A_49 = tpu.sem_alloc : memref<!tpu.dma_semaphore, #tpu.memory_space<semaphore_mem>>
        %dma_start3A_50 = arith.constant 0 : i32
        %dma_start3A_51 = arith.constant 0 : i32
        %dma_start3A_52 = tpu.memref_slice %arg11[%dma_start3A_50, %dma_start3A_51] : memref<125x128xf32, #tpu.memory_space<vmem>> -> memref<125x64xf32, #tpu.memory_space<vmem>>
        %dma_start3A_53 = arith.constant 0 : i32
        %dma_start3A_54 = tpu.memref_slice %arg12[%add3A_48, %dma_start3A_53] : memref<10000x64xf32, #tpu.memory_space<vmem_shared>> -> memref<125x64xf32, #tpu.memory_space<vmem_shared>>
        %dma_start3A_55 = arith.constant 0 : i32
        %dma_start3A_56 = tpu.memref_slice %arg12[%add3A_48, %dma_start3A_55] : memref<10000x64xf32, #tpu.memory_space<vmem_shared>> -> memref<125x64xf32, #tpu.memory_space<vmem_shared>>
        %dma_start3A_57 = arith.constant 0 : i32
        %dma_start3A_58 = arith.constant 0 : i32
        %dma_start3A_59 = tpu.memref_slice %arg11[%dma_start3A_57, %dma_start3A_58] : memref<125x128xf32, #tpu.memory_space<vmem>> -> memref<125x64xf32, #tpu.memory_space<vmem>>
        tpu.enqueue_dma source(%dma_start3A_59 : memref<125x64xf32, #tpu.memory_space<vmem>>) target(%dma_start3A_56 : memref<125x64xf32, #tpu.memory_space<vmem_shared>>) target_semaphore(%run_scoped3A_49 : memref<!tpu.dma_semaphore, #tpu.memory_space<semaphore_mem>>)
        %dma_wait3A = arith.constant 0 : i32
        %dma_wait3A_60 = arith.constant 0 : i32
        %dma_wait3A_61 = tpu.memref_slice %arg11[%dma_wait3A, %dma_wait3A_60] : memref<125x128xf32, #tpu.memory_space<vmem>> -> memref<125x64xf32, #tpu.memory_space<vmem>>
        %dma_wait3A_62 = arith.constant 0 : i32
        %dma_wait3A_63 = tpu.memref_slice %arg12[%add3A_48, %dma_wait3A_62] : memref<10000x64xf32, #tpu.memory_space<vmem_shared>> -> memref<125x64xf32, #tpu.memory_space<vmem_shared>>
        %dma_wait3A_64 = arith.constant 0 : i32
        %dma_wait3A_65 = tpu.memref_slice %arg12[%add3A_48, %dma_wait3A_64] : memref<10000x64xf32, #tpu.memory_space<vmem_shared>> -> memref<125x64xf32, #tpu.memory_space<vmem_shared>>
        %dma_wait3A_66 = arith.constant 0 : i32
        %dma_wait3A_67 = arith.constant 0 : i32
        %dma_wait3A_68 = tpu.memref_slice %arg11[%dma_wait3A_66, %dma_wait3A_67] : memref<125x128xf32, #tpu.memory_space<vmem>> -> memref<125x64xf32, #tpu.memory_space<vmem>>
        tpu.wait_dma2 semaphore(%run_scoped3A_49 : memref<!tpu.dma_semaphore, #tpu.memory_space<semaphore_mem>>) src(%dma_wait3A_68 : memref<125x64xf32, #tpu.memory_space<vmem>>) dst(%dma_wait3A_65 : memref<125x64xf32, #tpu.memory_space<vmem_shared>>)
        tpu.yield
      }) : () -> ()
    }
    %scan3A_15 = arith.constant 5 : i32
    %run_scoped3A = arith.constant 0 : i32
    "tpu.region"() ({
      %run_scoped3A_45 = tpu.sem_alloc : memref<!tpu.dma_semaphore, #tpu.memory_space<semaphore_mem>>
      %dma_start3A_46 = tpu.memref_slice %arg3[%run_scoped3A, %mul3A_2] : memref<2x320000xi32, #tpu.memory_space<hbm>> -> memref<1x9984xi32, #tpu.memory_space<hbm>>
      %dma_start3A_47 = tpu.memref_squeeze %dma_start3A_46 : memref<1x9984xi32, #tpu.memory_space<hbm>> -> memref<9984xi32, #tpu.memory_space<hbm>>
      %dma_start3A_48 = tpu.memref_slice %arg3[%run_scoped3A, %mul3A_2] : memref<2x320000xi32, #tpu.memory_space<hbm>> -> memref<1x9984xi32, #tpu.memory_space<hbm>>
      %dma_start3A_49 = tpu.memref_squeeze %dma_start3A_48 : memref<1x9984xi32, #tpu.memory_space<hbm>> -> memref<9984xi32, #tpu.memory_space<hbm>>
      tpu.enqueue_dma source(%dma_start3A_49 : memref<9984xi32, #tpu.memory_space<hbm>>) target(%arg5 : memref<9984xi32, #tpu.memory_space<vmem>>) target_semaphore(%run_scoped3A_45 : memref<!tpu.dma_semaphore, #tpu.memory_space<semaphore_mem>>)
      %dma_wait3A = tpu.memref_slice %arg3[%run_scoped3A, %mul3A_2] : memref<2x320000xi32, #tpu.memory_space<hbm>> -> memref<1x9984xi32, #tpu.memory_space<hbm>>
      %dma_wait3A_50 = tpu.memref_squeeze %dma_wait3A : memref<1x9984xi32, #tpu.memory_space<hbm>> -> memref<9984xi32, #tpu.memory_space<hbm>>
      %dma_wait3A_51 = tpu.memref_slice %arg3[%run_scoped3A, %mul3A_2] : memref<2x320000xi32, #tpu.memory_space<hbm>> -> memref<1x9984xi32, #tpu.memory_space<hbm>>
      %dma_wait3A_52 = tpu.memref_squeeze %dma_wait3A_51 : memref<1x9984xi32, #tpu.memory_space<hbm>> -> memref<9984xi32, #tpu.memory_space<hbm>>
      tpu.wait_dma2 semaphore(%run_scoped3A_45 : memref<!tpu.dma_semaphore, #tpu.memory_space<semaphore_mem>>) src(%dma_wait3A_52 : memref<9984xi32, #tpu.memory_space<hbm>>) dst(%arg5 : memref<9984xi32, #tpu.memory_space<vmem>>)
      tpu.yield
    }) : () -> ()
    %run_scoped3A_16 = arith.constant 1 : i32
    "tpu.region"() ({
      %run_scoped3A_45 = tpu.sem_alloc : memref<!tpu.dma_semaphore, #tpu.memory_space<semaphore_mem>>
      %dma_start3A_46 = tpu.memref_slice %arg3[%run_scoped3A_16, %mul3A_2] : memref<2x320000xi32, #tpu.memory_space<hbm>> -> memref<1x9984xi32, #tpu.memory_space<hbm>>
      %dma_start3A_47 = tpu.memref_squeeze %dma_start3A_46 : memref<1x9984xi32, #tpu.memory_space<hbm>> -> memref<9984xi32, #tpu.memory_space<hbm>>
      %dma_start3A_48 = tpu.memref_slice %arg3[%run_scoped3A_16, %mul3A_2] : memref<2x320000xi32, #tpu.memory_space<hbm>> -> memref<1x9984xi32, #tpu.memory_space<hbm>>
      %dma_start3A_49 = tpu.memref_squeeze %dma_start3A_48 : memref<1x9984xi32, #tpu.memory_space<hbm>> -> memref<9984xi32, #tpu.memory_space<hbm>>
      tpu.enqueue_dma source(%dma_start3A_49 : memref<9984xi32, #tpu.memory_space<hbm>>) target(%arg6 : memref<9984xi32, #tpu.memory_space<vmem>>) target_semaphore(%run_scoped3A_45 : memref<!tpu.dma_semaphore, #tpu.memory_space<semaphore_mem>>)
      %dma_wait3A = tpu.memref_slice %arg3[%run_scoped3A_16, %mul3A_2] : memref<2x320000xi32, #tpu.memory_space<hbm>> -> memref<1x9984xi32, #tpu.memory_space<hbm>>
      %dma_wait3A_50 = tpu.memref_squeeze %dma_wait3A : memref<1x9984xi32, #tpu.memory_space<hbm>> -> memref<9984xi32, #tpu.memory_space<hbm>>
      %dma_wait3A_51 = tpu.memref_slice %arg3[%run_scoped3A_16, %mul3A_2] : memref<2x320000xi32, #tpu.memory_space<hbm>> -> memref<1x9984xi32, #tpu.memory_space<hbm>>
      %dma_wait3A_52 = tpu.memref_squeeze %dma_wait3A_51 : memref<1x9984xi32, #tpu.memory_space<hbm>> -> memref<9984xi32, #tpu.memory_space<hbm>>
      tpu.wait_dma2 semaphore(%run_scoped3A_45 : memref<!tpu.dma_semaphore, #tpu.memory_space<semaphore_mem>>) src(%dma_wait3A_52 : memref<9984xi32, #tpu.memory_space<hbm>>) dst(%arg6 : memref<9984xi32, #tpu.memory_space<vmem>>)
      tpu.yield
    }) : () -> ()
    %mul3A_17 = arith.constant 128 : i32
    %mul3A_18 = arith.muli %add3A, %mul3A_17 : i32
    %add3A_19 = arith.constant 319488 : i32
    %add3A_20 = arith.addi %add3A_19, %mul3A_18 : i32
    %lt3A = arith.constant 4 : i32
    %lt3A_21 = arith.cmpi slt, %add3A, %lt3A : i32
    %convert_element_type3A = arith.extui %lt3A_21 : i1 to i32
    %cond3A = arith.constant 0 : i32
    %cond3A_22 = arith.cmpi ne, %convert_element_type3A, %cond3A : i32
    scf.if %cond3A_22 {
      %run_scoped3A_45 = arith.constant 0 : i32
      "tpu.region"() ({
        %run_scoped3A_47 = tpu.sem_alloc : memref<!tpu.dma_semaphore, #tpu.memory_space<semaphore_mem>>
        %dma_start3A_48 = tpu.memref_slice %arg3[%run_scoped3A_45, %add3A_20] : memref<2x320000xi32, #tpu.memory_space<hbm>> -> memref<1x128xi32, #tpu.memory_space<hbm>>
        %dma_start3A_49 = tpu.memref_squeeze %dma_start3A_48 : memref<1x128xi32, #tpu.memory_space<hbm>> -> memref<128xi32, #tpu.memory_space<hbm>>
        %dma_start3A_50 = tpu.memref_slice %arg3[%run_scoped3A_45, %add3A_20] : memref<2x320000xi32, #tpu.memory_space<hbm>> -> memref<1x128xi32, #tpu.memory_space<hbm>>
        %dma_start3A_51 = tpu.memref_squeeze %dma_start3A_50 : memref<1x128xi32, #tpu.memory_space<hbm>> -> memref<128xi32, #tpu.memory_space<hbm>>
        tpu.enqueue_dma source(%dma_start3A_51 : memref<128xi32, #tpu.memory_space<hbm>>) target(%arg7 : memref<128xi32, #tpu.memory_space<vmem>>) target_semaphore(%run_scoped3A_47 : memref<!tpu.dma_semaphore, #tpu.memory_space<semaphore_mem>>)
        %dma_wait3A = tpu.memref_slice %arg3[%run_scoped3A_45, %add3A_20] : memref<2x320000xi32, #tpu.memory_space<hbm>> -> memref<1x128xi32, #tpu.memory_space<hbm>>
        %dma_wait3A_52 = tpu.memref_squeeze %dma_wait3A : memref<1x128xi32, #tpu.memory_space<hbm>> -> memref<128xi32, #tpu.memory_space<hbm>>
        %dma_wait3A_53 = tpu.memref_slice %arg3[%run_scoped3A_45, %add3A_20] : memref<2x320000xi32, #tpu.memory_space<hbm>> -> memref<1x128xi32, #tpu.memory_space<hbm>>
        %dma_wait3A_54 = tpu.memref_squeeze %dma_wait3A_53 : memref<1x128xi32, #tpu.memory_space<hbm>> -> memref<128xi32, #tpu.memory_space<hbm>>
        tpu.wait_dma2 semaphore(%run_scoped3A_47 : memref<!tpu.dma_semaphore, #tpu.memory_space<semaphore_mem>>) src(%dma_wait3A_54 : memref<128xi32, #tpu.memory_space<hbm>>) dst(%arg7 : memref<128xi32, #tpu.memory_space<vmem>>)
        tpu.yield
      }) : () -> ()
      %run_scoped3A_46 = arith.constant 1 : i32
      "tpu.region"() ({
        %run_scoped3A_47 = tpu.sem_alloc : memref<!tpu.dma_semaphore, #tpu.memory_space<semaphore_mem>>
        %dma_start3A_48 = tpu.memref_slice %arg3[%run_scoped3A_46, %add3A_20] : memref<2x320000xi32, #tpu.memory_space<hbm>> -> memref<1x128xi32, #tpu.memory_space<hbm>>
        %dma_start3A_49 = tpu.memref_squeeze %dma_start3A_48 : memref<1x128xi32, #tpu.memory_space<hbm>> -> memref<128xi32, #tpu.memory_space<hbm>>
        %dma_start3A_50 = tpu.memref_slice %arg3[%run_scoped3A_46, %add3A_20] : memref<2x320000xi32, #tpu.memory_space<hbm>> -> memref<1x128xi32, #tpu.memory_space<hbm>>
        %dma_start3A_51 = tpu.memref_squeeze %dma_start3A_50 : memref<1x128xi32, #tpu.memory_space<hbm>> -> memref<128xi32, #tpu.memory_space<hbm>>
        tpu.enqueue_dma source(%dma_start3A_51 : memref<128xi32, #tpu.memory_space<hbm>>) target(%arg8 : memref<128xi32, #tpu.memory_space<vmem>>) target_semaphore(%run_scoped3A_47 : memref<!tpu.dma_semaphore, #tpu.memory_space<semaphore_mem>>)
        %dma_wait3A = tpu.memref_slice %arg3[%run_scoped3A_46, %add3A_20] : memref<2x320000xi32, #tpu.memory_space<hbm>> -> memref<1x128xi32, #tpu.memory_space<hbm>>
        %dma_wait3A_52 = tpu.memref_squeeze %dma_wait3A : memref<1x128xi32, #tpu.memory_space<hbm>> -> memref<128xi32, #tpu.memory_space<hbm>>
        %dma_wait3A_53 = tpu.memref_slice %arg3[%run_scoped3A_46, %add3A_20] : memref<2x320000xi32, #tpu.memory_space<hbm>> -> memref<1x128xi32, #tpu.memory_space<hbm>>
        %dma_wait3A_54 = tpu.memref_squeeze %dma_wait3A_53 : memref<1x128xi32, #tpu.memory_space<hbm>> -> memref<128xi32, #tpu.memory_space<hbm>>
        tpu.wait_dma2 semaphore(%run_scoped3A_47 : memref<!tpu.dma_semaphore, #tpu.memory_space<semaphore_mem>>) src(%dma_wait3A_54 : memref<128xi32, #tpu.memory_space<hbm>>) dst(%arg8 : memref<128xi32, #tpu.memory_space<vmem>>)
        tpu.yield
      }) : () -> ()
    } else {
    }
    %barrier3A = arith.constant 0 : index
    tpu.barrier barrier_id(%barrier3A)
    %dma_start3A = arith.constant 0 : i32
    %dma_start3A_23 = tpu.memref_slice %arg5[%dma_start3A] : memref<9984xi32, #tpu.memory_space<vmem>> -> memref<128xi32, #tpu.memory_space<vmem>>
    %dma_start3A_24 = arith.constant 0 : i32
    %dma_start3A_25 = arith.constant 0 : i32
    %dma_start3A_26 = tpu.memref_slice %arg2[%dma_start3A_24, %dma_start3A_25] : memref<10000x64xf32, #tpu.memory_space<hbm>> -> memref<10000x64xf32, #tpu.memory_space<hbm>>
    tpu.enqueue_indirect_dma source(%dma_start3A_26 : memref<10000x64xf32, #tpu.memory_space<hbm>>) target(%arg9 : memref<128x64xf32, #tpu.memory_space<vmem>>) offsets(%dma_start3A_23 : memref<128xi32, #tpu.memory_space<vmem>>) semaphore(%arg13 : memref<!tpu.dma_semaphore, #tpu.memory_space<semaphore_mem>>)
    %scan3A_27 = arith.constant 0 : i32
    %scan3A_28 = arith.constant 0 : i32
    %scan3A_29 = arith.constant 39 : i32
    %scan3A_30 = arith.addi %scan3A_28, %scan3A_29 : i32
    %scan3A_31 = arith.constant 1 : i32
    scf.for %scan3A_45 = %scan3A_28 to %scan3A_30 step %scan3A_31  : i32 {
      %mul3A_46 = arith.constant 2 : i32
      %mul3A_47 = arith.muli %mul3A_46, %scan3A_45 : i32
      %add3A_48 = arith.constant 1 : i32
      %add3A_49 = arith.addi %mul3A_47, %add3A_48 : i32
      %mul3A_50 = arith.constant 128 : i32
      %mul3A_51 = arith.muli %add3A_49, %mul3A_50 : i32
      %dma_start3A_52 = tpu.memref_slice %arg5[%mul3A_51] : memref<9984xi32, #tpu.memory_space<vmem>> -> memref<128xi32, #tpu.memory_space<vmem>>
      %dma_start3A_53 = arith.constant 0 : i32
      %dma_start3A_54 = arith.constant 0 : i32
      %dma_start3A_55 = tpu.memref_slice %arg2[%dma_start3A_53, %dma_start3A_54] : memref<10000x64xf32, #tpu.memory_space<hbm>> -> memref<10000x64xf32, #tpu.memory_space<hbm>>
      tpu.enqueue_indirect_dma source(%dma_start3A_55 : memref<10000x64xf32, #tpu.memory_space<hbm>>) target(%arg10 : memref<128x64xf32, #tpu.memory_space<vmem>>) offsets(%dma_start3A_52 : memref<128xi32, #tpu.memory_space<vmem>>) semaphore(%arg14 : memref<!tpu.dma_semaphore, #tpu.memory_space<semaphore_mem>>)
      %mul3A_56 = arith.constant 2 : i32
      %mul3A_57 = arith.muli %mul3A_56, %scan3A_45 : i32
      %mul3A_58 = arith.constant 128 : i32
      %mul3A_59 = arith.muli %mul3A_57, %mul3A_58 : i32
      %dma_wait3A = tpu.memref_slice %arg5[%mul3A_59] : memref<9984xi32, #tpu.memory_space<vmem>> -> memref<128xi32, #tpu.memory_space<vmem>>
      %dma_wait3A_60 = arith.constant 0 : i32
      %dma_wait3A_61 = arith.constant 0 : i32
      %dma_wait3A_62 = tpu.memref_slice %arg2[%dma_wait3A_60, %dma_wait3A_61] : memref<10000x64xf32, #tpu.memory_space<hbm>> -> memref<10000x64xf32, #tpu.memory_space<hbm>>
      tpu.wait_indirect_dma semaphore(%arg13 : memref<!tpu.dma_semaphore, #tpu.memory_space<semaphore_mem>>) src(%dma_wait3A_62 : memref<10000x64xf32, #tpu.memory_space<hbm>>) dst(%arg9 : memref<128x64xf32, #tpu.memory_space<vmem>>)
      %mul3A_63 = arith.constant 2 : i32
      %mul3A_64 = arith.muli %mul3A_63, %scan3A_45 : i32
      %mul3A_65 = arith.constant 128 : i32
      %mul3A_66 = arith.muli %mul3A_64, %mul3A_65 : i32
      "tpu.region"() ({
        %run_scoped3A_88 = tpu.sem_alloc : memref<!tpu.dma_semaphore, #tpu.memory_space<semaphore_mem>>
        %dma_start3A_89 = tpu.memref_slice %arg6[%mul3A_66] : memref<9984xi32, #tpu.memory_space<vmem>> -> memref<128xi32, #tpu.memory_space<vmem>>
        %dma_start3A_90 = arith.constant 0 : i32
        %dma_start3A_91 = arith.constant 0 : i32
        %dma_start3A_92 = tpu.memref_slice %arg12[%dma_start3A_90, %dma_start3A_91] : memref<10000x64xf32, #tpu.memory_space<vmem_shared>> -> memref<10000x64xf32, #tpu.memory_space<vmem_shared>>
        tpu.enqueue_indirect_dma source(%arg9 : memref<128x64xf32, #tpu.memory_space<vmem>>) target(%dma_start3A_92 : memref<10000x64xf32, #tpu.memory_space<vmem_shared>>) offsets(%dma_start3A_89 : memref<128xi32, #tpu.memory_space<vmem>>) semaphore(%run_scoped3A_88 : memref<!tpu.dma_semaphore, #tpu.memory_space<semaphore_mem>>) {add = true}
        %dma_wait3A_93 = tpu.memref_slice %arg6[%mul3A_66] : memref<9984xi32, #tpu.memory_space<vmem>> -> memref<128xi32, #tpu.memory_space<vmem>>
        %dma_wait3A_94 = arith.constant 0 : i32
        %dma_wait3A_95 = arith.constant 0 : i32
        %dma_wait3A_96 = tpu.memref_slice %arg12[%dma_wait3A_94, %dma_wait3A_95] : memref<10000x64xf32, #tpu.memory_space<vmem_shared>> -> memref<10000x64xf32, #tpu.memory_space<vmem_shared>>
        tpu.wait_indirect_dma semaphore(%run_scoped3A_88 : memref<!tpu.dma_semaphore, #tpu.memory_space<semaphore_mem>>) src(%arg9 : memref<128x64xf32, #tpu.memory_space<vmem>>) dst(%dma_wait3A_96 : memref<10000x64xf32, #tpu.memory_space<vmem_shared>>)
        tpu.yield
      }) : () -> ()
      %lt3A_67 = arith.constant 38 : i32
      %lt3A_68 = arith.cmpi slt, %scan3A_45, %lt3A_67 : i32
      %convert_element_type3A_69 = arith.extui %lt3A_68 : i1 to i32
      %cond3A_70 = arith.constant 0 : i32
      %cond3A_71 = arith.cmpi ne, %convert_element_type3A_69, %cond3A_70 : i32
      scf.if %cond3A_71 {
        %mul3A_88 = arith.constant 2 : i32
        %mul3A_89 = arith.muli %mul3A_88, %scan3A_45 : i32
        %add3A_90 = arith.constant 2 : i32
        %add3A_91 = arith.addi %mul3A_89, %add3A_90 : i32
        %mul3A_92 = arith.constant 128 : i32
        %mul3A_93 = arith.muli %add3A_91, %mul3A_92 : i32
        %dma_start3A_94 = tpu.memref_slice %arg5[%mul3A_93] : memref<9984xi32, #tpu.memory_space<vmem>> -> memref<128xi32, #tpu.memory_space<vmem>>
        %dma_start3A_95 = arith.constant 0 : i32
        %dma_start3A_96 = arith.constant 0 : i32
        %dma_start3A_97 = tpu.memref_slice %arg2[%dma_start3A_95, %dma_start3A_96] : memref<10000x64xf32, #tpu.memory_space<hbm>> -> memref<10000x64xf32, #tpu.memory_space<hbm>>
        tpu.enqueue_indirect_dma source(%dma_start3A_97 : memref<10000x64xf32, #tpu.memory_space<hbm>>) target(%arg9 : memref<128x64xf32, #tpu.memory_space<vmem>>) offsets(%dma_start3A_94 : memref<128xi32, #tpu.memory_space<vmem>>) semaphore(%arg13 : memref<!tpu.dma_semaphore, #tpu.memory_space<semaphore_mem>>)
      } else {
      }
      %mul3A_72 = arith.constant 2 : i32
      %mul3A_73 = arith.muli %mul3A_72, %scan3A_45 : i32
      %add3A_74 = arith.constant 1 : i32
      %add3A_75 = arith.addi %mul3A_73, %add3A_74 : i32
      %mul3A_76 = arith.constant 128 : i32
      %mul3A_77 = arith.muli %add3A_75, %mul3A_76 : i32
      %dma_wait3A_78 = tpu.memref_slice %arg5[%mul3A_77] : memref<9984xi32, #tpu.memory_space<vmem>> -> memref<128xi32, #tpu.memory_space<vmem>>
      %dma_wait3A_79 = arith.constant 0 : i32
      %dma_wait3A_80 = arith.constant 0 : i32
      %dma_wait3A_81 = tpu.memref_slice %arg2[%dma_wait3A_79, %dma_wait3A_80] : memref<10000x64xf32, #tpu.memory_space<hbm>> -> memref<10000x64xf32, #tpu.memory_space<hbm>>
      tpu.wait_indirect_dma semaphore(%arg14 : memref<!tpu.dma_semaphore, #tpu.memory_space<semaphore_mem>>) src(%dma_wait3A_81 : memref<10000x64xf32, #tpu.memory_space<hbm>>) dst(%arg10 : memref<128x64xf32, #tpu.memory_space<vmem>>)
      %mul3A_82 = arith.constant 2 : i32
      %mul3A_83 = arith.muli %mul3A_82, %scan3A_45 : i32
      %add3A_84 = arith.constant 1 : i32
      %add3A_85 = arith.addi %mul3A_83, %add3A_84 : i32
      %mul3A_86 = arith.constant 128 : i32
      %mul3A_87 = arith.muli %add3A_85, %mul3A_86 : i32
      "tpu.region"() ({
        %run_scoped3A_88 = tpu.sem_alloc : memref<!tpu.dma_semaphore, #tpu.memory_space<semaphore_mem>>
        %dma_start3A_89 = tpu.memref_slice %arg6[%mul3A_87] : memref<9984xi32, #tpu.memory_space<vmem>> -> memref<128xi32, #tpu.memory_space<vmem>>
        %dma_start3A_90 = arith.constant 0 : i32
        %dma_start3A_91 = arith.constant 0 : i32
        %dma_start3A_92 = tpu.memref_slice %arg12[%dma_start3A_90, %dma_start3A_91] : memref<10000x64xf32, #tpu.memory_space<vmem_shared>> -> memref<10000x64xf32, #tpu.memory_space<vmem_shared>>
        tpu.enqueue_indirect_dma source(%arg10 : memref<128x64xf32, #tpu.memory_space<vmem>>) target(%dma_start3A_92 : memref<10000x64xf32, #tpu.memory_space<vmem_shared>>) offsets(%dma_start3A_89 : memref<128xi32, #tpu.memory_space<vmem>>) semaphore(%run_scoped3A_88 : memref<!tpu.dma_semaphore, #tpu.memory_space<semaphore_mem>>) {add = true}
        %dma_wait3A_93 = tpu.memref_slice %arg6[%mul3A_87] : memref<9984xi32, #tpu.memory_space<vmem>> -> memref<128xi32, #tpu.memory_space<vmem>>
        %dma_wait3A_94 = arith.constant 0 : i32
        %dma_wait3A_95 = arith.constant 0 : i32
        %dma_wait3A_96 = tpu.memref_slice %arg12[%dma_wait3A_94, %dma_wait3A_95] : memref<10000x64xf32, #tpu.memory_space<vmem_shared>> -> memref<10000x64xf32, #tpu.memory_space<vmem_shared>>
        tpu.wait_indirect_dma semaphore(%run_scoped3A_88 : memref<!tpu.dma_semaphore, #tpu.memory_space<semaphore_mem>>) src(%arg10 : memref<128x64xf32, #tpu.memory_space<vmem>>) dst(%dma_wait3A_96 : memref<10000x64xf32, #tpu.memory_space<vmem_shared>>)
        tpu.yield
      }) : () -> ()
    }
    %scan3A_32 = arith.constant 39 : i32
    %lt3A_33 = arith.constant 4 : i32
    %lt3A_34 = arith.cmpi slt, %add3A, %lt3A_33 : i32
    %convert_element_type3A_35 = arith.extui %lt3A_34 : i1 to i32
    %cond3A_36 = arith.constant 0 : i32
    %cond3A_37 = arith.cmpi ne, %convert_element_type3A_35, %cond3A_36 : i32
    scf.if %cond3A_37 {
      %dma_start3A_45 = arith.constant 0 : i32
      %dma_start3A_46 = arith.constant 0 : i32
      %dma_start3A_47 = tpu.memref_slice %arg2[%dma_start3A_45, %dma_start3A_46] : memref<10000x64xf32, #tpu.memory_space<hbm>> -> memref<10000x64xf32, #tpu.memory_space<hbm>>
      tpu.enqueue_indirect_dma source(%dma_start3A_47 : memref<10000x64xf32, #tpu.memory_space<hbm>>) target(%arg9 : memref<128x64xf32, #tpu.memory_space<vmem>>) offsets(%arg7 : memref<128xi32, #tpu.memory_space<vmem>>) semaphore(%arg13 : memref<!tpu.dma_semaphore, #tpu.memory_space<semaphore_mem>>)
      %dma_wait3A = arith.constant 0 : i32
      %dma_wait3A_48 = arith.constant 0 : i32
      %dma_wait3A_49 = tpu.memref_slice %arg2[%dma_wait3A, %dma_wait3A_48] : memref<10000x64xf32, #tpu.memory_space<hbm>> -> memref<10000x64xf32, #tpu.memory_space<hbm>>
      tpu.wait_indirect_dma semaphore(%arg13 : memref<!tpu.dma_semaphore, #tpu.memory_space<semaphore_mem>>) src(%dma_wait3A_49 : memref<10000x64xf32, #tpu.memory_space<hbm>>) dst(%arg9 : memref<128x64xf32, #tpu.memory_space<vmem>>)
      "tpu.region"() ({
        %run_scoped3A_50 = tpu.sem_alloc : memref<!tpu.dma_semaphore, #tpu.memory_space<semaphore_mem>>
        %dma_start3A_51 = arith.constant 0 : i32
        %dma_start3A_52 = arith.constant 0 : i32
        %dma_start3A_53 = tpu.memref_slice %arg12[%dma_start3A_51, %dma_start3A_52] : memref<10000x64xf32, #tpu.memory_space<vmem_shared>> -> memref<10000x64xf32, #tpu.memory_space<vmem_shared>>
        tpu.enqueue_indirect_dma source(%arg9 : memref<128x64xf32, #tpu.memory_space<vmem>>) target(%dma_start3A_53 : memref<10000x64xf32, #tpu.memory_space<vmem_shared>>) offsets(%arg8 : memref<128xi32, #tpu.memory_space<vmem>>) semaphore(%run_scoped3A_50 : memref<!tpu.dma_semaphore, #tpu.memory_space<semaphore_mem>>) {add = true}
        %dma_wait3A_54 = arith.constant 0 : i32
        %dma_wait3A_55 = arith.constant 0 : i32
        %dma_wait3A_56 = tpu.memref_slice %arg12[%dma_wait3A_54, %dma_wait3A_55] : memref<10000x64xf32, #tpu.memory_space<vmem_shared>> -> memref<10000x64xf32, #tpu.memory_space<vmem_shared>>
        tpu.wait_indirect_dma semaphore(%run_scoped3A_50 : memref<!tpu.dma_semaphore, #tpu.memory_space<semaphore_mem>>) src(%arg9 : memref<128x64xf32, #tpu.memory_space<vmem>>) dst(%dma_wait3A_56 : memref<10000x64xf32, #tpu.memory_space<vmem_shared>>)
        tpu.yield
      }) : () -> ()
    } else {
    }
    %barrier3A_38 = arith.constant 0 : index
    tpu.barrier barrier_id(%barrier3A_38)
    %scan3A_39 = arith.constant 0 : i32
    %scan3A_40 = arith.constant 0 : i32
    %scan3A_41 = arith.constant 5 : i32
    %scan3A_42 = arith.addi %scan3A_40, %scan3A_41 : i32
    %scan3A_43 = arith.constant 1 : i32
    scf.for %scan3A_45 = %scan3A_40 to %scan3A_42 step %scan3A_43  : i32 {
      %mul3A_46 = arith.constant 125 : i32
      %mul3A_47 = arith.muli %scan3A_45, %mul3A_46 : i32
      %add3A_48 = arith.addi %mul3A_4, %mul3A_47 : i32
      "tpu.region"() ({
        %run_scoped3A_49 = tpu.sem_alloc : memref<!tpu.dma_semaphore, #tpu.memory_space<semaphore_mem>>
        %dma_start3A_50 = arith.constant 0 : i32
        %dma_start3A_51 = arith.constant 0 : i32
        %dma_start3A_52 = tpu.memref_slice %arg11[%dma_start3A_50, %dma_start3A_51] : memref<125x128xf32, #tpu.memory_space<vmem>> -> memref<125x64xf32, #tpu.memory_space<vmem>>
        %dma_start3A_53 = arith.constant 0 : i32
        %dma_start3A_54 = tpu.memref_slice %arg12[%add3A_48, %dma_start3A_53] : memref<10000x64xf32, #tpu.memory_space<vmem_shared>> -> memref<125x64xf32, #tpu.memory_space<vmem_shared>>
        %dma_start3A_55 = arith.constant 0 : i32
        %dma_start3A_56 = arith.constant 0 : i32
        %dma_start3A_57 = tpu.memref_slice %arg11[%dma_start3A_55, %dma_start3A_56] : memref<125x128xf32, #tpu.memory_space<vmem>> -> memref<125x64xf32, #tpu.memory_space<vmem>>
        %dma_start3A_58 = arith.constant 0 : i32
        %dma_start3A_59 = tpu.memref_slice %arg12[%add3A_48, %dma_start3A_58] : memref<10000x64xf32, #tpu.memory_space<vmem_shared>> -> memref<125x64xf32, #tpu.memory_space<vmem_shared>>
        tpu.enqueue_dma source(%dma_start3A_59 : memref<125x64xf32, #tpu.memory_space<vmem_shared>>) target(%dma_start3A_57 : memref<125x64xf32, #tpu.memory_space<vmem>>) target_semaphore(%run_scoped3A_49 : memref<!tpu.dma_semaphore, #tpu.memory_space<semaphore_mem>>)
        %dma_wait3A = arith.constant 0 : i32
        %dma_wait3A_60 = arith.constant 0 : i32
        %dma_wait3A_61 = tpu.memref_slice %arg11[%dma_wait3A, %dma_wait3A_60] : memref<125x128xf32, #tpu.memory_space<vmem>> -> memref<125x64xf32, #tpu.memory_space<vmem>>
        %dma_wait3A_62 = arith.constant 0 : i32
        %dma_wait3A_63 = tpu.memref_slice %arg12[%add3A_48, %dma_wait3A_62] : memref<10000x64xf32, #tpu.memory_space<vmem_shared>> -> memref<125x64xf32, #tpu.memory_space<vmem_shared>>
        %dma_wait3A_64 = arith.constant 0 : i32
        %dma_wait3A_65 = arith.constant 0 : i32
        %dma_wait3A_66 = tpu.memref_slice %arg11[%dma_wait3A_64, %dma_wait3A_65] : memref<125x128xf32, #tpu.memory_space<vmem>> -> memref<125x64xf32, #tpu.memory_space<vmem>>
        %dma_wait3A_67 = arith.constant 0 : i32
        %dma_wait3A_68 = tpu.memref_slice %arg12[%add3A_48, %dma_wait3A_67] : memref<10000x64xf32, #tpu.memory_space<vmem_shared>> -> memref<125x64xf32, #tpu.memory_space<vmem_shared>>
        tpu.wait_dma2 semaphore(%run_scoped3A_49 : memref<!tpu.dma_semaphore, #tpu.memory_space<semaphore_mem>>) src(%dma_wait3A_68 : memref<125x64xf32, #tpu.memory_space<vmem_shared>>) dst(%dma_wait3A_66 : memref<125x64xf32, #tpu.memory_space<vmem>>)
        tpu.yield
      }) : () -> ()
      "tpu.region"() ({
        %run_scoped3A_49 = tpu.sem_alloc : memref<!tpu.dma_semaphore, #tpu.memory_space<semaphore_mem>>
        %dma_start3A_50 = arith.constant 0 : i32
        %dma_start3A_51 = tpu.memref_slice %arg4[%arg0, %add3A_48, %dma_start3A_50] : memref<2x10000x128xf32, #tpu.memory_space<hbm>> -> memref<1x125x128xf32, #tpu.memory_space<hbm>>
        %dma_start3A_52 = tpu.memref_squeeze %dma_start3A_51 : memref<1x125x128xf32, #tpu.memory_space<hbm>> -> memref<125x128xf32, #tpu.memory_space<hbm>>
        %dma_start3A_53 = arith.constant 0 : i32
        %dma_start3A_54 = tpu.memref_slice %arg4[%arg0, %add3A_48, %dma_start3A_53] : memref<2x10000x128xf32, #tpu.memory_space<hbm>> -> memref<1x125x128xf32, #tpu.memory_space<hbm>>
        %dma_start3A_55 = tpu.memref_squeeze %dma_start3A_54 : memref<1x125x128xf32, #tpu.memory_space<hbm>> -> memref<125x128xf32, #tpu.memory_space<hbm>>
        tpu.enqueue_dma source(%arg11 : memref<125x128xf32, #tpu.memory_space<vmem>>) target(%dma_start3A_55 : memref<125x128xf32, #tpu.memory_space<hbm>>) target_semaphore(%run_scoped3A_49 : memref<!tpu.dma_semaphore, #tpu.memory_space<semaphore_mem>>)
        %dma_wait3A = arith.constant 0 : i32
        %dma_wait3A_56 = tpu.memref_slice %arg4[%arg0, %add3A_48, %dma_wait3A] : memref<2x10000x128xf32, #tpu.memory_space<hbm>> -> memref<1x125x128xf32, #tpu.memory_space<hbm>>
        %dma_wait3A_57 = tpu.memref_squeeze %dma_wait3A_56 : memref<1x125x128xf32, #tpu.memory_space<hbm>> -> memref<125x128xf32, #tpu.memory_space<hbm>>
        %dma_wait3A_58 = arith.constant 0 : i32
        %dma_wait3A_59 = tpu.memref_slice %arg4[%arg0, %add3A_48, %dma_wait3A_58] : memref<2x10000x128xf32, #tpu.memory_space<hbm>> -> memref<1x125x128xf32, #tpu.memory_space<hbm>>
        %dma_wait3A_60 = tpu.memref_squeeze %dma_wait3A_59 : memref<1x125x128xf32, #tpu.memory_space<hbm>> -> memref<125x128xf32, #tpu.memory_space<hbm>>
        tpu.wait_dma2 semaphore(%run_scoped3A_49 : memref<!tpu.dma_semaphore, #tpu.memory_space<semaphore_mem>>) src(%arg11 : memref<125x128xf32, #tpu.memory_space<vmem>>) dst(%dma_wait3A_60 : memref<125x128xf32, #tpu.memory_space<hbm>>)
        tpu.yield
      }) : () -> ()
    }
    %scan3A_44 = arith.constant 5 : i32
    return
  }
}

module attributes {stable_mosaic.version = 14 : i64} {
  func.func @_head_body(%arg0: i32, %arg1: memref<2000x128xf32, #tpu.memory_space<vmem>>, %arg2: memref<128x64xf32, #tpu.memory_space<vmem>>, %arg3: memref<1x64xf32, #tpu.memory_space<vmem>>, %arg4: memref<2000x64xf32, #tpu.memory_space<vmem>>) attributes {dimension_semantics = [#tpu.dimension_semantics<arbitrary>], iteration_bounds = array<i64: 5>, scalar_prefetch = 0 : i64, scratch_operands = 0 : i64, tpu.core_type = #tpu.core_type<tc>, window_params = [{transform_indices = @transform_0, window_bounds = array<i64: 2000, 128>}, {pipeline_mode = #tpu.pipeline_mode<synchronous>, transform_indices = @transform_1, window_bounds = array<i64: 128, 64>}, {pipeline_mode = #tpu.pipeline_mode<synchronous>, transform_indices = @transform_2, window_bounds = array<i64: 1, 64>}, {transform_indices = @transform_3, window_bounds = array<i64: 2000, 64>}]} {
    %get3A = arith.constant 0 : index
    %get3A_0 = arith.constant 0 : index
    %get3A_1 = vector.load %arg1[%get3A, %get3A_0] : memref<2000x128xf32, #tpu.memory_space<vmem>>, vector<2000x128xf32>
    %get3A_2 = arith.constant 0 : index
    %get3A_3 = arith.constant 0 : index
    %get3A_4 = vector.load %arg2[%get3A_2, %get3A_3] : memref<128x64xf32, #tpu.memory_space<vmem>>, vector<128x64xf32>
    %dot_general3A = arith.constant dense<0.000000e+00> : vector<2000x64xf32>
    %dot_general3A_5 = tpu.matmul %get3A_1, %get3A_4, %dot_general3A {dimension_numbers = #tpu.dot_dimension_numbers<[1], [0], [0], [1], [0, 0, 1, 1], [], []>, transpose_lhs_hint = false} : vector<2000x128xf32>, vector<128x64xf32>, vector<2000x64xf32> -> vector<2000x64xf32>
    %get3A_6 = arith.constant 0 : index
    %get3A_7 = arith.constant 0 : index
    %get3A_8 = vector.load %arg3[%get3A_6, %get3A_7] : memref<1x64xf32, #tpu.memory_space<vmem>>, vector<1x64xf32>
    %add3A = vector.broadcast %get3A_8 : vector<1x64xf32> to vector<2000x64xf32>
    %add3A_9 = arith.addf %dot_general3A_5, %add3A : vector<2000x64xf32>
    %max3A = arith.constant 0.000000e+00 : f32
    %max3A_10 = vector.broadcast %max3A : f32 to vector<2000x64xf32>
    %max3A_11 = arith.maximumf %add3A_9, %max3A_10 : vector<2000x64xf32>
    %swap3A = arith.constant 0 : index
    %swap3A_12 = arith.constant 0 : index
    %swap3A_13 = vector.load %arg4[%swap3A, %swap3A_12] : memref<2000x64xf32, #tpu.memory_space<vmem>>, vector<2000x64xf32>
    tpu.vector_store %arg4[%swap3A, %swap3A_12], %max3A_11 {strides = array<i32>} : memref<2000x64xf32, #tpu.memory_space<vmem>>, vector<2000x64xf32>,
    return
  }
  func.func @transform_0(%arg0: i32) -> (i32, i32) {
    %c0_i32 = arith.constant 0 : i32
    %c0_i32_0 = arith.constant 0 : i32
    return %arg0, %c0_i32 : i32, i32
  }
  func.func @transform_1(%arg0: i32) -> (i32, i32) {
    %c0_i32 = arith.constant 0 : i32
    %c0_i32_0 = arith.constant 0 : i32
    %c0_i32_1 = arith.constant 0 : i32
    return %c0_i32, %c0_i32_0 : i32, i32
  }
  func.func @transform_2(%arg0: i32) -> (i32, i32) {
    %c0_i32 = arith.constant 0 : i32
    %c0_i32_0 = arith.constant 0 : i32
    %c0_i32_1 = arith.constant 0 : i32
    return %c0_i32, %c0_i32_0 : i32, i32
  }
  func.func @transform_3(%arg0: i32) -> (i32, i32) {
    %c0_i32 = arith.constant 0 : i32
    %c0_i32_0 = arith.constant 0 : i32
    return %arg0, %c0_i32 : i32, i32
  }
}

module attributes {stable_mosaic.version = 14 : i64} {
  func.func @_tail_body(%arg0: i32, %arg1: memref<2000x64xf32, #tpu.memory_space<vmem>>, %arg2: memref<2x2000x128xf32, #tpu.memory_space<vmem>>, %arg3: memref<128x64xf32, #tpu.memory_space<vmem>>, %arg4: memref<1x64xf32, #tpu.memory_space<vmem>>, %arg5: memref<64x64xf32, #tpu.memory_space<vmem>>, %arg6: memref<1x64xf32, #tpu.memory_space<vmem>>, %arg7: memref<64x64xf32, #tpu.memory_space<vmem>>, %arg8: memref<1x64xf32, #tpu.memory_space<vmem>>, %arg9: memref<1x64xf32, #tpu.memory_space<vmem>>, %arg10: memref<1x64xf32, #tpu.memory_space<vmem>>, %arg11: memref<10000x64xf32, #tpu.memory_space<vmem>>, %arg12: memref<1x64xf32, #tpu.memory_space<vmem>>, %arg13: memref<1x64xf32, #tpu.memory_space<vmem>>) attributes {dimension_semantics = [#tpu.dimension_semantics<arbitrary>], iteration_bounds = array<i64: 6>, scalar_prefetch = 0 : i64, scratch_operands = 2 : i64, tpu.core_type = #tpu.core_type<tc>, window_params = [{transform_indices = @transform_0, window_bounds = array<i64: 2000, 64>}, {transform_indices = @transform_1, window_bounds = array<i64: 2, 2000, 128>}, {pipeline_mode = #tpu.pipeline_mode<synchronous>, transform_indices = @transform_2, window_bounds = array<i64: 128, 64>}, {pipeline_mode = #tpu.pipeline_mode<synchronous>, transform_indices = @transform_3, window_bounds = array<i64: 1, 64>}, {pipeline_mode = #tpu.pipeline_mode<synchronous>, transform_indices = @transform_4, window_bounds = array<i64: 64, 64>}, {pipeline_mode = #tpu.pipeline_mode<synchronous>, transform_indices = @transform_5, window_bounds = array<i64: 1, 64>}, {pipeline_mode = #tpu.pipeline_mode<synchronous>, transform_indices = @transform_6, window_bounds = array<i64: 64, 64>}, {pipeline_mode = #tpu.pipeline_mode<synchronous>, transform_indices = @transform_7, window_bounds = array<i64: 1, 64>}, {pipeline_mode = #tpu.pipeline_mode<synchronous>, transform_indices = @transform_8, window_bounds = array<i64: 1, 64>}, {pipeline_mode = #tpu.pipeline_mode<synchronous>, transform_indices = @transform_9, window_bounds = array<i64: 1, 64>}, {pipeline_mode = #tpu.pipeline_mode<synchronous>, transform_indices = @transform_10, window_bounds = array<i64: 10000, 64>}]} {
    %lt3A = arith.constant 5 : i32
    %lt3A_0 = arith.cmpi slt, %arg0, %lt3A : i32
    %convert_element_type3A = arith.extui %lt3A_0 : i1 to i32
    %cond3A = arith.constant 0 : i32
    %cond3A_1 = arith.cmpi ne, %convert_element_type3A, %cond3A : i32
    scf.if %cond3A_1 {
      %get3A = arith.constant 0 : index
      %get3A_6 = arith.constant 0 : index
      %get3A_7 = vector.load %arg1[%get3A, %get3A_6] : memref<2000x64xf32, #tpu.memory_space<vmem>>, vector<2000x64xf32>
      %jit3A = arith.constant 0 : i32
      %convert_element_type3A_8 = arith.sitofp %jit3A : i32 to f32
      %pad3A = vector.broadcast %convert_element_type3A_8 : f32 to vector<2000x64xf32>
      %pad3A_9 = tpu.concatenate %get3A_7, %pad3A in 1 : vector<2000x64xf32>, vector<2000x64xf32> -> vector<2000x128xf32>
      %get3A_10 = arith.constant 0 : index
      %get3A_11 = arith.constant 0 : index
      %get3A_12 = arith.constant 0 : index
      %get3A_13 = vector.load %arg2[%get3A_10, %get3A_11, %get3A_12] : memref<2x2000x128xf32, #tpu.memory_space<vmem>>, vector<1x2000x128xf32>
      %get3A_14 = vector.shape_cast %get3A_13 : vector<1x2000x128xf32> to vector<2000x128xf32>
      %add3A = arith.addf %pad3A_9, %get3A_14 : vector<2000x128xf32>
      %get3A_15 = arith.constant 1 : index
      %get3A_16 = arith.constant 0 : index
      %get3A_17 = arith.constant 0 : index
      %get3A_18 = vector.load %arg2[%get3A_15, %get3A_16, %get3A_17] : memref<2x2000x128xf32, #tpu.memory_space<vmem>>, vector<1x2000x128xf32>
      %get3A_19 = vector.shape_cast %get3A_18 : vector<1x2000x128xf32> to vector<2000x128xf32>
      %add3A_20 = arith.addf %add3A, %get3A_19 : vector<2000x128xf32>
      %get3A_21 = arith.constant 0 : index
      %get3A_22 = arith.constant 0 : index
      %get3A_23 = vector.load %arg3[%get3A_21, %get3A_22] : memref<128x64xf32, #tpu.memory_space<vmem>>, vector<128x64xf32>
      %dot_general3A = arith.constant dense<0.000000e+00> : vector<2000x64xf32>
      %dot_general3A_24 = tpu.matmul %add3A_20, %get3A_23, %dot_general3A {dimension_numbers = #tpu.dot_dimension_numbers<[1], [0], [0], [1], [0, 0, 1, 1], [], []>, transpose_lhs_hint = false} : vector<2000x128xf32>, vector<128x64xf32>, vector<2000x64xf32> -> vector<2000x64xf32>
      %get3A_25 = arith.constant 0 : index
      %get3A_26 = arith.constant 0 : index
      %get3A_27 = vector.load %arg4[%get3A_25, %get3A_26] : memref<1x64xf32, #tpu.memory_space<vmem>>, vector<1x64xf32>
      %add3A_28 = vector.broadcast %get3A_27 : vector<1x64xf32> to vector<2000x64xf32>
      %add3A_29 = arith.addf %dot_general3A_24, %add3A_28 : vector<2000x64xf32>
      %max3A = arith.constant 0.000000e+00 : f32
      %max3A_30 = vector.broadcast %max3A : f32 to vector<2000x64xf32>
      %max3A_31 = arith.maximumf %add3A_29, %max3A_30 : vector<2000x64xf32>
      %get3A_32 = arith.constant 0 : index
      %get3A_33 = arith.constant 0 : index
      %get3A_34 = vector.load %arg5[%get3A_32, %get3A_33] : memref<64x64xf32, #tpu.memory_space<vmem>>, vector<64x64xf32>
      %dot_general3A_35 = arith.constant dense<0.000000e+00> : vector<2000x64xf32>
      %dot_general3A_36 = tpu.matmul %max3A_31, %get3A_34, %dot_general3A_35 {dimension_numbers = #tpu.dot_dimension_numbers<[1], [0], [0], [1], [0, 0, 1, 1], [], []>, transpose_lhs_hint = false} : vector<2000x64xf32>, vector<64x64xf32>, vector<2000x64xf32> -> vector<2000x64xf32>
      %get3A_37 = arith.constant 0 : index
      %get3A_38 = arith.constant 0 : index
      %get3A_39 = vector.load %arg6[%get3A_37, %get3A_38] : memref<1x64xf32, #tpu.memory_space<vmem>>, vector<1x64xf32>
      %add3A_40 = vector.broadcast %get3A_39 : vector<1x64xf32> to vector<2000x64xf32>
      %add3A_41 = arith.addf %dot_general3A_36, %add3A_40 : vector<2000x64xf32>
      %get3A_42 = arith.constant 0 : index
      %get3A_43 = arith.constant 0 : index
      %get3A_44 = vector.load %arg7[%get3A_42, %get3A_43] : memref<64x64xf32, #tpu.memory_space<vmem>>, vector<64x64xf32>
      %dot_general3A_45 = arith.constant dense<0.000000e+00> : vector<2000x64xf32>
      %dot_general3A_46 = tpu.matmul %add3A_41, %get3A_44, %dot_general3A_45 {dimension_numbers = #tpu.dot_dimension_numbers<[1], [0], [0], [1], [0, 0, 1, 1], [], []>, transpose_lhs_hint = false} : vector<2000x64xf32>, vector<64x64xf32>, vector<2000x64xf32> -> vector<2000x64xf32>
      %get3A_47 = arith.constant 0 : index
      %get3A_48 = arith.constant 0 : index
      %get3A_49 = vector.load %arg8[%get3A_47, %get3A_48] : memref<1x64xf32, #tpu.memory_space<vmem>>, vector<1x64xf32>
      %add3A_50 = vector.broadcast %get3A_49 : vector<1x64xf32> to vector<2000x64xf32>
      %add3A_51 = arith.addf %dot_general3A_46, %add3A_50 : vector<2000x64xf32>
      %mul3A = arith.constant 2000 : i32
      %mul3A_52 = arith.muli %arg0, %mul3A : i32
      %swap3A = arith.index_cast %mul3A_52 : i32 to index
      %swap3A_53 = arith.constant 0 : index
      %swap3A_54 = vector.load %arg11[%swap3A, %swap3A_53] : memref<10000x64xf32, #tpu.memory_space<vmem>>, vector<2000x64xf32>
      tpu.vector_store %arg11[%swap3A, %swap3A_53], %add3A_51 {strides = array<i32>} : memref<10000x64xf32, #tpu.memory_space<vmem>>, vector<2000x64xf32>,
      %reduce_sum3A = arith.constant dense<0.000000e+00> : vector<64xf32>
      %reduce_sum3A_55 = vector.multi_reduction <add>, %add3A_51, %reduce_sum3A [0] : vector<2000x64xf32> to vector<64xf32>
      %broadcast_in_dim3A = vector.shape_cast %reduce_sum3A_55 : vector<64xf32> to vector<1x64xf32>
      %mul3A_56 = arith.mulf %add3A_51, %add3A_51 : vector<2000x64xf32>
      %reduce_sum3A_57 = arith.constant dense<0.000000e+00> : vector<64xf32>
      %reduce_sum3A_58 = vector.multi_reduction <add>, %mul3A_56, %reduce_sum3A_57 [0] : vector<2000x64xf32> to vector<64xf32>
      %broadcast_in_dim3A_59 = vector.shape_cast %reduce_sum3A_58 : vector<64xf32> to vector<1x64xf32>
      %eq3A_60 = arith.constant 0 : i32
      %eq3A_61 = arith.cmpi eq, %arg0, %eq3A_60 : i32
      %convert_element_type3A_62 = arith.extui %eq3A_61 : i1 to i32
      %cond3A_63 = arith.constant 0 : i32
      %cond3A_64 = arith.cmpi ne, %convert_element_type3A_62, %cond3A_63 : i32
      scf.if %cond3A_64 {
        %broadcast_in_dim3A_79 = arith.constant 0.000000e+00 : f32
        %broadcast_in_dim3A_80 = vector.broadcast %broadcast_in_dim3A_79 : f32 to vector<1x64xf32>
        %swap3A_81 = arith.constant 0 : index
        %swap3A_82 = arith.constant 0 : index
        %swap3A_83 = vector.load %arg12[%swap3A_81, %swap3A_82] : memref<1x64xf32, #tpu.memory_space<vmem>>, vector<1x64xf32>
        tpu.vector_store %arg12[%swap3A_81, %swap3A_82], %broadcast_in_dim3A_80 {strides = array<i32>} : memref<1x64xf32, #tpu.memory_space<vmem>>, vector<1x64xf32>,
        %broadcast_in_dim3A_84 = arith.constant 0.000000e+00 : f32
        %broadcast_in_dim3A_85 = vector.broadcast %broadcast_in_dim3A_84 : f32 to vector<1x64xf32>
        %swap3A_86 = arith.constant 0 : index
        %swap3A_87 = arith.constant 0 : index
        %swap3A_88 = vector.load %arg13[%swap3A_86, %swap3A_87] : memref<1x64xf32, #tpu.memory_space<vmem>>, vector<1x64xf32>
        tpu.vector_store %arg13[%swap3A_86, %swap3A_87], %broadcast_in_dim3A_85 {strides = array<i32>} : memref<1x64xf32, #tpu.memory_space<vmem>>, vector<1x64xf32>,
      } else {
      }
      %get3A_65 = arith.constant 0 : index
      %get3A_66 = arith.constant 0 : index
      %get3A_67 = vector.load %arg12[%get3A_65, %get3A_66] : memref<1x64xf32, #tpu.memory_space<vmem>>, vector<1x64xf32>
      %add3A_68 = arith.addf %get3A_67, %broadcast_in_dim3A : vector<1x64xf32>
      %swap3A_69 = arith.constant 0 : index
      %swap3A_70 = arith.constant 0 : index
      %swap3A_71 = vector.load %arg12[%swap3A_69, %swap3A_70] : memref<1x64xf32, #tpu.memory_space<vmem>>, vector<1x64xf32>
      tpu.vector_store %arg12[%swap3A_69, %swap3A_70], %add3A_68 {strides = array<i32>} : memref<1x64xf32, #tpu.memory_space<vmem>>, vector<1x64xf32>,
      %get3A_72 = arith.constant 0 : index
      %get3A_73 = arith.constant 0 : index
      %get3A_74 = vector.load %arg13[%get3A_72, %get3A_73] : memref<1x64xf32, #tpu.memory_space<vmem>>, vector<1x64xf32>
      %add3A_75 = arith.addf %get3A_74, %broadcast_in_dim3A_59 : vector<1x64xf32>
      %swap3A_76 = arith.constant 0 : index
      %swap3A_77 = arith.constant 0 : index
      %swap3A_78 = vector.load %arg13[%swap3A_76, %swap3A_77] : memref<1x64xf32, #tpu.memory_space<vmem>>, vector<1x64xf32>
      tpu.vector_store %arg13[%swap3A_76, %swap3A_77], %add3A_75 {strides = array<i32>} : memref<1x64xf32, #tpu.memory_space<vmem>>, vector<1x64xf32>,
    } else {
    }
    %eq3A = arith.constant 5 : i32
    %eq3A_2 = arith.cmpi eq, %arg0, %eq3A : i32
    %convert_element_type3A_3 = arith.extui %eq3A_2 : i1 to i32
    %cond3A_4 = arith.constant 0 : i32
    %cond3A_5 = arith.cmpi ne, %convert_element_type3A_3, %cond3A_4 : i32
    scf.if %cond3A_5 {
      %get3A = arith.constant 0 : index
      %get3A_6 = arith.constant 0 : index
      %get3A_7 = vector.load %arg12[%get3A, %get3A_6] : memref<1x64xf32, #tpu.memory_space<vmem>>, vector<1x64xf32>
      %mul3A = arith.constant 9.99999974E-5 : f32
      %mul3A_8 = vector.broadcast %mul3A : f32 to vector<1x64xf32>
      %mul3A_9 = arith.mulf %get3A_7, %mul3A_8 : vector<1x64xf32>
      %get3A_10 = arith.constant 0 : index
      %get3A_11 = arith.constant 0 : index
      %get3A_12 = vector.load %arg13[%get3A_10, %get3A_11] : memref<1x64xf32, #tpu.memory_space<vmem>>, vector<1x64xf32>
      %mul3A_13 = arith.constant 9.99999974E-5 : f32
      %mul3A_14 = vector.broadcast %mul3A_13 : f32 to vector<1x64xf32>
      %mul3A_15 = arith.mulf %get3A_12, %mul3A_14 : vector<1x64xf32>
      %mul3A_16 = arith.mulf %mul3A_9, %mul3A_9 : vector<1x64xf32>
      %sub3A = arith.subf %mul3A_15, %mul3A_16 : vector<1x64xf32>
      %get3A_17 = arith.constant 0 : index
      %get3A_18 = arith.constant 0 : index
      %get3A_19 = vector.load %arg9[%get3A_17, %get3A_18] : memref<1x64xf32, #tpu.memory_space<vmem>>, vector<1x64xf32>
      %add3A = arith.constant 9.99999974E-6 : f32
      %add3A_20 = vector.broadcast %add3A : f32 to vector<1x64xf32>
      %add3A_21 = arith.addf %sub3A, %add3A_20 : vector<1x64xf32>
      %rsqrt3A = math.rsqrt %add3A_21 : vector<1x64xf32>
      %mul3A_22 = arith.mulf %get3A_19, %rsqrt3A : vector<1x64xf32>
      %get3A_23 = arith.constant 0 : index
      %get3A_24 = arith.constant 0 : index
      %get3A_25 = vector.load %arg10[%get3A_23, %get3A_24] : memref<1x64xf32, #tpu.memory_space<vmem>>, vector<1x64xf32>
      %mul3A_26 = arith.mulf %mul3A_9, %mul3A_22 : vector<1x64xf32>
      %sub3A_27 = arith.subf %get3A_25, %mul3A_26 : vector<1x64xf32>
      %get3A_28 = arith.constant 0 : index
      %get3A_29 = arith.constant 0 : index
      %get3A_30 = vector.load %arg11[%get3A_28, %get3A_29] : memref<10000x64xf32, #tpu.memory_space<vmem>>, vector<10000x64xf32>
      %mul3A_31 = vector.broadcast %mul3A_22 : vector<1x64xf32> to vector<10000x64xf32>
      %mul3A_32 = arith.mulf %get3A_30, %mul3A_31 : vector<10000x64xf32>
      %add3A_33 = vector.broadcast %sub3A_27 : vector<1x64xf32> to vector<10000x64xf32>
      %add3A_34 = arith.addf %mul3A_32, %add3A_33 : vector<10000x64xf32>
      %swap3A = arith.constant 0 : index
      %swap3A_35 = arith.constant 0 : index
      %swap3A_36 = vector.load %arg11[%swap3A, %swap3A_35] : memref<10000x64xf32, #tpu.memory_space<vmem>>, vector<10000x64xf32>
      tpu.vector_store %arg11[%swap3A, %swap3A_35], %add3A_34 {strides = array<i32>} : memref<10000x64xf32, #tpu.memory_space<vmem>>, vector<10000x64xf32>,
    } else {
    }
    return
  }
  func.func @transform_0(%arg0: i32) -> (i32, i32) {
    %min3A = arith.constant 4 : i32
    %min3A_0 = arith.minsi %arg0, %min3A : i32
    %c0_i32 = arith.constant 0 : i32
    %c0_i32_1 = arith.constant 0 : i32
    return %min3A_0, %c0_i32 : i32, i32
  }
  func.func @transform_1(%arg0: i32) -> (i32, i32, i32) {
    %min3A = arith.constant 4 : i32
    %min3A_0 = arith.minsi %arg0, %min3A : i32
    %c0_i32 = arith.constant 0 : i32
    %c0_i32_1 = arith.constant 0 : i32
    %c0_i32_2 = arith.constant 0 : i32
    return %c0_i32, %min3A_0, %c0_i32_1 : i32, i32, i32
  }
  func.func @transform_2(%arg0: i32) -> (i32, i32) {
    %c0_i32 = arith.constant 0 : i32
    %c0_i32_0 = arith.constant 0 : i32
    %c0_i32_1 = arith.constant 0 : i32
    return %c0_i32, %c0_i32_0 : i32, i32
  }
  func.func @transform_3(%arg0: i32) -> (i32, i32) {
    %c0_i32 = arith.constant 0 : i32
    %c0_i32_0 = arith.constant 0 : i32
    %c0_i32_1 = arith.constant 0 : i32
    return %c0_i32, %c0_i32_0 : i32, i32
  }
  func.func @transform_4(%arg0: i32) -> (i32, i32) {
    %c0_i32 = arith.constant 0 : i32
    %c0_i32_0 = arith.constant 0 : i32
    %c0_i32_1 = arith.constant 0 : i32
    return %c0_i32, %c0_i32_0 : i32, i32
  }
  func.func @transform_5(%arg0: i32) -> (i32, i32) {
    %c0_i32 = arith.constant 0 : i32
    %c0_i32_0 = arith.constant 0 : i32
    %c0_i32_1 = arith.constant 0 : i32
    return %c0_i32, %c0_i32_0 : i32, i32
  }
  func.func @transform_6(%arg0: i32) -> (i32, i32) {
    %c0_i32 = arith.constant 0 : i32
    %c0_i32_0 = arith.constant 0 : i32
    %c0_i32_1 = arith.constant 0 : i32
    return %c0_i32, %c0_i32_0 : i32, i32
  }
  func.func @transform_7(%arg0: i32) -> (i32, i32) {
    %c0_i32 = arith.constant 0 : i32
    %c0_i32_0 = arith.constant 0 : i32
    %c0_i32_1 = arith.constant 0 : i32
    return %c0_i32, %c0_i32_0 : i32, i32
  }
  func.func @transform_8(%arg0: i32) -> (i32, i32) {
    %c0_i32 = arith.constant 0 : i32
    %c0_i32_0 = arith.constant 0 : i32
    %c0_i32_1 = arith.constant 0 : i32
    return %c0_i32, %c0_i32_0 : i32, i32
  }
  func.func @transform_9(%arg0: i32) -> (i32, i32) {
    %c0_i32 = arith.constant 0 : i32
    %c0_i32_0 = arith.constant 0 : i32
    %c0_i32_1 = arith.constant 0 : i32
    return %c0_i32, %c0_i32_0 : i32, i32
  }
  func.func @transform_10(%arg0: i32) -> (i32, i32) {
    %c0_i32 = arith.constant 0 : i32
    %c0_i32_0 = arith.constant 0 : i32
    %c0_i32_1 = arith.constant 0 : i32
    return %c0_i32, %c0_i32_0 : i32, i32
  }
}

</mosaic_0001>

<sc_bundles>
// kernel: kernel.5.cloned.1.call-start
scs
__scs_entry_jumppad:
0x0: {  	(pc) =	sbr.rel $0x88, $3  }
0x1: {  	(tag) =	ssettag $0x0;
	lr =	simm.s32 $0x1  }
0x2: {  	[smem:$0x3F95] =	sst lr;
	_ =	strace $0xD0000000  }
0x3: {  	_ = 	snop  }
0x4: {  	_ = 	snop  }
0x5: {  	_ = 	snop  }
0x6: {  	_ = 	snop  }
0x7: {  	_ = 	snop  }
__scs_overlays_trampoline_lowered:
0x8: {  	[smem:$0x3FA4] =	sst s0  }
0x9: {  	[smem:$0x3FA5] =	sst s1  }
0xa: {  	[smem:$0x3FA6] =	sst s2  }
0xb: {  	[smem:$0x3FA7] =	sst s3  }
0xc: {  	[smem:$0x3FA8] =	sst s4  }
0xd: {  	[smem:$0x3FA9] =	sst s5  }
0xe: {  	[smem:$0x3FAA] =	sst s6  }
0xf: {  	[smem:$0x3FAB] =	sst s7  }
0x10: {  	[smem:$0x3FAC] =	sst s8  }
0x11: {  	[smem:$0x3FAD] =	sst s9;
	s0 =	simm.s32 @!p0 $0x0  }
0x12: {  	s1 =	sld [smem:$0x3F93];
	s0 =	simm.s32 @p0 $0x1  }
0x13: {  	[smem:$0x3FAE] =	sst s0;
	s0 =	simm.s32 @!p1 $0x0  }
0x14: {  	s2 =	sld [smem:$0x3F92];
	s0 =	simm.s32 @p1 $0x1  }
0x15: {  	[smem:$0x3FAF] =	sst s0;
	s0 =	simm.s32 @!p2 $0x0  }
0x16: {  	s3 =	sld [smem:$0x3FDB];
	s0 =	simm.s32 @p2 $0x1  }
0x17: {  	s4 =	simm.s32 $0x1BF5;
	[smem:$0x3FB1] =	sst s0  }
0x18: {  	s0 =	sld [smem:$0x3F94];
	_ =	swait.ge [sflag:s4], $0x0  }
0x19: {  	s7 =	sld [smem:$0x3F95]  }
0x1a: {  	s8 =	sadd.s32 $0xFFFFE003, lr  }
0x1b: {  	s9 =	sadd.s32 $0xFFFFFEF7, lr;
	s5 =	simm.s32 $0xFFFFFFFF;
	p2 =	slt.u32 s8, $0xFFFFF086  }
0x1c: {  	p1 =	slt.u32 s9, $0xF7A;
	s5 =	simm.s32 @!p2 $0x0  }
0x1d: {  	s5 =	simm.s32 @p1 $0x1;
	p0 =	seq.s32 s7, s2  }
0x1e: {  	s7 =	smul.u32 @!p0 $0xF7A, s2;
	p2 =	seq.s32 @!p0 s5, $0x0  }
0x1f: {  	s9 =	smul.u32 $0xF7A, s1;
	s8 =	simm.s32 @!p0 $0x1BF5;
	p2 =	por !p2, p0  }
0x20: {  	[sflag:s8] =	ssyncset.s32 @!p0 $0xFFFFF086;
	s6 =	sadd.s32 @!p0 s3, s7;
	s7 =	simm.s32 @!p0 $0x108  }
0x21: {  	s3 =	sadd.s32 s3, s9;
	s6 =	sadd.s32 @!p0 $0x88, s6;
	s7 =	simm.s32 @p2 $0x1082  }
0x22: {  	[simem:s7], [sflag:s8] =	dma.local @!p0 [hbm:s6], $0xF7A  }
0x23: {  	s9 =	sor.u32 $0xD0000000, s2;
	s6 =	simm.s32 $0x108;
	_ =	swait.ge @!p0 [sflag:s8], $0x0  }
0x24: {  	s3 =	sadd.s32 $0x88, s3;
	s6 =	simm.s32 @!p1 $0x1082;
	[sflag:s4] =	ssyncset.s32 $0xFFFFF086  }
0x25: {  	[simem:s6], [sflag:s4] =	dma.local [hbm:s3], $0xF7A  }
0x26: {  	[smem:$0x3F95] =	sst s1;
	(tag) =	ssettag s2;
	_ =	strace s9  }
0x27: {  	s1 =	sld [smem:$0x3FA5]  }
0x28: {  	s2 =	sld [smem:$0x3FA6]  }
0x29: {  	s4 =	sld [smem:$0x3FA8]  }
0x2a: {  	p0 =	seq.s32 s5, $0x0;
	s5 =	sld [smem:$0x3FA9]  }
0x2b: {  	s6 =	sld [smem:$0x3FAA]  }
0x2c: {  	s7 =	sld [smem:$0x3FAB]  }
0x2d: {  	s3 =	simm.s32 $0x108;
	s8 =	sld [smem:$0x3FAC]  }
0x2e: {  	s3 =	simm.s32 @!p0 $0x1082;
	s9 =	sld [smem:$0x3FAD]  }
0x2f: {  	lr =	sadd.s32 s0, s3;
	s0 =	sld [smem:$0x3FA4]  }
0x30: {  	s3 =	sld [smem:$0x3FA7]  }
0x31: {  	[smem:$0x3FB0] =	sst s10  }
0x32: {  	s10 =	sld [smem:$0x3FAE];
	_ =	sdelay $0x3  }
0x33: {  	p0 =	seq.s32 s10, $0x1;
	s10 =	sld [smem:$0x3FB0];
	_ =	sdelay $0x3  }
0x34: {  	[smem:$0x3FB0] =	sst s10  }
0x35: {  	s10 =	sld [smem:$0x3FAF];
	_ =	sdelay $0x3  }
0x36: {  	p1 =	seq.s32 s10, $0x1;
	s10 =	sld [smem:$0x3FB0];
	_ =	sdelay $0x3  }
0x37: {  	[smem:$0x3FB0] =	sst s10  }
0x38: {  	s10 =	sld [smem:$0x3FB1]  }
0x39: {  	_ = 	snop;
	(pc) =	sbr.ind lr, $3  }
0x3a: {  	_ = 	snop  }
0x3b: {  	_ = 	snop  }
0x3c: {  	p2 =	seq.s32 s10, $0x1;
	s10 =	sld [smem:$0x3FB0]  }
0x3d: {  	_ =	shalt  }
0x3e: {  	_ =	shalt  }
0x3f: {  	_ =	shalt  }
0x40: {  	_ =	shalt  }
0x41: {  	_ =	shalt  }
0x42: {  	_ =	shalt  }
0x43: {  	_ =	shalt  }
0x44: {  	_ =	shalt  }
0x45: {  	_ =	shalt  }
0x46: {  	_ =	shalt  }
0x47: {  	_ =	shalt  }
0x48: {  	_ =	shalt  }
0x49: {  	_ =	shalt  }
0x4a: {  	_ =	shalt  }
0x4b: {  	_ =	shalt  }
0x4c: {  	_ =	shalt  }
0x4d: {  	_ =	shalt  }
0x4e: {  	_ =	shalt  }
0x4f: {  	_ =	shalt  }
0x50: {  	_ =	shalt  }
0x51: {  	_ =	shalt  }
0x52: {  	_ =	shalt  }
0x53: {  	_ =	shalt  }
0x54: {  	_ =	shalt  }
0x55: {  	_ =	shalt  }
0x56: {  	_ =	shalt  }
0x57: {  	_ =	shalt  }
0x58: {  	_ =	shalt  }
0x59: {  	_ =	shalt  }
0x5a: {  	_ =	shalt  }
0x5b: {  	_ =	shalt  }
0x5c: {  	_ =	shalt  }
0x5d: {  	_ =	shalt  }
0x5e: {  	_ =	shalt  }
0x5f: {  	_ =	shalt  }
0x60: {  	_ =	shalt  }
0x61: {  	_ =	shalt  }
0x62: {  	_ =	shalt  }
0x63: {  	_ =	shalt  }
0x64: {  	_ =	shalt  }
0x65: {  	_ =	shalt  }
0x66: {  	_ =	shalt  }
0x67: {  	_ =	shalt  }
0x68: {  	_ =	shalt  }
0x69: {  	_ =	shalt  }
0x6a: {  	_ =	shalt  }
0x6b: {  	_ =	shalt  }
0x6c: {  	_ =	shalt  }
0x6d: {  	_ =	shalt  }
0x6e: {  	_ =	shalt  }
0x6f: {  	_ =	shalt  }
0x70: {  	_ =	shalt  }
0x71: {  	_ =	shalt  }
0x72: {  	_ =	shalt  }
0x73: {  	_ =	shalt  }
0x74: {  	_ =	shalt  }
0x75: {  	_ =	shalt  }
0x76: {  	_ =	shalt  }
0x77: {  	_ =	shalt  }
0x78: {  	_ =	shalt  }
0x79: {  	_ =	shalt  }
0x7a: {  	_ =	shalt  }
0x7b: {  	_ =	shalt  }
0x7c: {  	_ =	shalt  }
0x7d: {  	_ =	shalt  }
0x7e: {  	_ =	shalt  }
0x7f: {  	_ =	shalt  }
0x80: {  	_ =	shalt  }
0x81: {  	_ =	shalt  }
0x82: {  	_ =	shalt  }
0x83: {  	_ =	shalt  }
0x84: {  	_ =	shalt  }
0x85: {  	_ =	shalt  }
0x86: {  	_ =	shalt  }
0x87: {  	_ =	shalt  }
.Lfunc_end0:
.L_simem_size_0:
called_computation_lowered:
.L_overlay_start_0:
0x88: {  	s2 =	sld [smem:$0x3FD9]  }
0x89: {  	s3 =	sld [smem:$0x3FFE];
	_ =	sdelay $0x1  }
0x8a: {  	s1 =	srdreg.scid  }
0x8b: {  	s0 =	sand.u32 $0x1, s1  }
0x8c: {  	s17 =	sshll.u32 s0, $0xA;
	s2 =	sadd.s32 s3, s2  }
0x8d: {  	s2 =	sadd.s32 s2, s17  }
0x8e: {  	[smem:$0x3FBC] =	sst s2  }
0x8f: {  	_ = 	snop  }
0x90: {  	s2 =	sld [smem:$0x3FD0];
	(tm) =	ssettm $0x1  }
0x91: {  	s18 =	sld [smem:$0x3FFB];
	_ =	sdelay $0x3  }
0x92: {  	_ =	strace s18  }
0x93: {  	s3 =	sld [smem:$0x3FFC];
	_ =	sdelay $0x3  }
0x94: {  	_ =	strace s3  }
0x95: {  	s3 =	sld [smem:$0x3FFD];
	_ =	sdelay $0x3  }
0x96: {  	_ =	strace s3  }
0x97: {  	_ =	strace $0x8FFFFFFF  }
0x98: {  	s19 =	sld [smem:$0x3FDB];
	_ =	sdelay $0x1  }
0x99: {  	s4 =	simm.s32 $_scs_section_size  }
0x9a: {  	s5 =	simm.s32 $_size__tile_overlayer_lowered;
	s6 =	simm.s32 $_tile_overlayer_lowered  }
0x9b: {  	s22 =	simm.s32 $0x1BFF;
	s21 =	sshll.u32 s6, $0x1;
	s3 =	sadd.s32 s4, s19  }
0x9c: {  	s7 =	simm.s32 $0x0;
	s20 =	sshll.u32 s5, $0x1;
	s5 =	sadd.s32 s21, s3  }
0x9d: {  	[timem:s7], [sflag:s22] =	dma.local [hbm:s5], s20  }
0x9e: {  	_ =	swait.ge [sflag:s22], s20  }
0x9f: {  	s4 =	ssub.s32 $0x0, s20;
	[sflag:s22] =	ssyncset.done $0x0  }
0xa0: {  	[sflag:s22] =	ssyncadd.s32 s4;
	_ =	sdelay $0x1  }
0xa1: {  	s23 =	simm.s32 $0x1B8B  }
0xa2: {  	_ =	swait.ge [sflag:s23], $0x1  }
0xa3: {  	[sflag:s23] =	ssyncset.done $0x0  }
0xa4: {  	s25 =	simm.s32 $0x1B8E;
	s24 =	sld [smem:$0x3FFE];
	[sflag:s23] =	ssyncadd.s32 $0xFFFFFFFF  }
0xa5: {  	s26 =	simm.s32 $execute0_lowered;
	[smem:$0x3FD2] =	sst s25  }
0xa6: {  	s5 =	sshll.u32 s26, $0x1;
	_ =	strace $0x80000046;
	[dreg:$0x1] =	wrdreg $0xFFFFFFFF  }
0xa7: {  	s28 =	simm.s32 $_size_execute0_lowered;
	s3 =	sadd.s32 s3, s5;
	[dreg:$0x0] =	wrdreg $0x0  }
0xa8: {  	s5 =	sshll.u32 s28, $0x1;
	[dreg:$0x2] =	wrdreg s3  }
0xa9: {  	[dreg:$0x3] =	wrdreg s5  }
0xaa: {  	[dreg:$0x4] =	wrdreg $0xC0  }
0xab: {  	_ =	task [dreg:s7], $0x5FFFF  }
0xac: {  	[dreg:$0x1] =	wrdreg $0xFFFFFFFF  }
0xad: {  	[dreg:$0x0] =	wrdreg $0x60  }
0xae: {  	[dreg:$0x2] =	wrdreg s2  }
0xaf: {  	[dreg:$0x3] =	wrdreg s24  }
0xb0: {  	[dreg:$0x4] =	wrdreg $0xCD800  }
0xb1: {  	[dreg:$0x5] =	wrdreg $0x9  }
0xb2: {  	_ =	task.clear_ibuf [dreg:s7], $0x6FFFF;
	_ =	strace $0x90000046  }
0xb3: {  	s29 =	simm.s32 $0x9;
	_ =	strace $0x80000048  }
0xb4: {  	_ =	swait.ge [sflag:s29], $0x1  }
0xb5: {  	[sflag:s29] =	ssyncadd.s32 $0xFFFFFFFF  }
0xb6: {  	_ =	strace $0x90000048  }
0xb7: {  	_ =	sfence  }
0xb8: {  	s30 =	sld [smem:$0x0];
	_ =	sdelay $0x2  }
0xb9: {  	s31 =	sshll.u32 s1, $0xD;
	s1 =	sshrl.u32 s1, $0x2  }
0xba: {  	s3 =	sand.u32 $0x4000, s31;
	s1 =	sadd.s32 s1, s30  }
0xbb: {  	s0 =	sor.u32 s3, s0;
	s1 =	sshll.u32 s1, $0x11  }
0xbc: {  	s0 =	sor.u32 s1, s0  }
0xbd: {  	s0 =	sadd.s32 $0x8F2B, s0  }
0xbe: {  	[sflag:s0] =	ssyncadd.remote.s32 $0x1  }
0xbf: {  	_ =	sfence.sel $0xFFFF  }
0xc0: {  	[dreg:$0x0] =	wrdreg $0xFFFFFFFF;
	(pc) =	sbr.abs _section_cstart, $3  }
0xc1: {  	[dreg:$0x1] =	wrdreg $0xFFFFFFFF  }
0xc2: {  	_ =	task.clear_ibuf [dreg:s7], $0x2FFFF;
	_ =	strace $0x9FFFFFFF  }
0xc3: {  	(tm) =	ssettm $0x7FFFFFFF  }
tec
execute0_lowered:
.L_overlay_start_1:
0x0: {  	(tag) =	ssettag $0x1  }
0x1: {  	s1 =	rddreg [dreg:$0x0]  }
0x2: {  	s0 =	rddreg [dreg:$0x1];
	s2 =	srdreg.scid  }
0x3: {  	s21 =	stileid.u32;
	s3 =	rddreg [dreg:$0x2]  }
0x4: {  	s4 =	simm.s32 $0x0;
	s22 =	simm.s32 $0x80;
	s31 =	simm.s32 $0x8F00  }
0x5: {  	s2 =	sand.u32 $0x1, s2;
	s5 =	sshll.u32 s21, $0x1;
	s14 =	smul.u32 $0x271, s21  }
0x6: {  	[smem:$0x7FF] =	sst s4;
	s8 =	sadd.s32 $0x1C00, s0;
	s10 =	smul.u32 $0x27100, s21  }
0x7: {  	s0 =	sadd.s32 $0x15600, s0;
	s16 =	smul.u32 $0x13880, s21;
	p0 =	sgt.u32 s21, $0x1  }
0x8: {  	s6 =	sor.u32 s2, s5;
	s23 =	ssub.s32 $0x2, s2;
	s2 =	smul.u32 $0x138800, s2  }
0x9: {  	_ =	strace $0x80000047;
	s7 =	smul.u32 $0x2700, s6;
	s9 =	sshrl.u32 s23, $0x1  }
0xa: {  	s25 =	sshll.u32 s6, $0x4;
	s10 =	sshrl.u32 s10, $0x2;
	s15 =	sadd.s32 $0x7D, s14  }
0xb: {  	s17 =	sadd.s32 $0xFA, s14;
	s18 =	sadd.s32 $0x177, s14;
	s19 =	sadd.s32 $0x1F4, s14  }
0xc: {  	s9 =	ssub.s32 s23, s9;
	s10 =	sadd.s32 s10, s3;
	s11 =	sshll.u32 s15, $0x6  }
0xd: {  	s12 =	sshll.u32 s17, $0x6;
	s13 =	sshll.u32 s18, $0x6;
	s26 =	sshll.u32 s15, $0x7  }
0xe: {  	s28 =	sshll.u32 s19, $0x6;
	s16 =	sadd.s32 s2, s16;
	s17 =	sshll.u32 s17, $0x7  }
0xf: {  	s18 =	sshll.u32 s18, $0x7;
	s19 =	sshll.u32 s19, $0x7;
	s23 =	simm.s32 $0x4F00  }
0x10: {  	s24 =	sshrl.u32 s7, $0x3;
	s9 =	smax.u32 s9, $0x1;
	s11 =	sadd.s32 s11, s3  }
0x11: {  	s12 =	sadd.s32 s12, s3;
	s13 =	sadd.s32 s13, s3;
	s20 =	sadd.s32 s2, s26  }
0x12: {  	s14 =	sadd.s32 s28, s3;
	s29 =	sshrl.u32 s16, $0x3;
	s17 =	sadd.s32 s2, s17  }
0x13: {  	s18 =	sadd.s32 s2, s18;
	s2 =	sadd.s32 s2, s19;
	s26 =	simm.s32 $0x2  }
0x14: {  	s5 =	sadd.s32 s8, s24;
	s8 =	sadd.s32 s25, s8;
	s30 =	sshrl.u32 s20, $0x3  }
0x15: {  	s15 =	sadd.s32 s0, s29;
	s17 =	sshrl.u32 s17, $0x3;
	s18 =	sshrl.u32 s18, $0x3  }
0x16: {  	s2 =	sshrl.u32 s2, $0x3;
	s20 =	simm.s32 $0x3;
	s24 =	simm.s32 $0x6F00  }
0x17: {  	s25 =	simm.s32 $0x1;
	s6 =	sadd.s32 $0x9C40, s5;
	s7 =	sadd.s32 $0x9C00, s8  }
0x18: {  	s8 =	sadd.s32 $0x13840, s8;
	s16 =	sadd.s32 s0, s30;
	s17 =	sadd.s32 s0, s17  }
0x19: {  	v0 =	vimm.f32 $0.0e+00;
	s18 =	sadd.s32 s0, s18;
	s19 =	sadd.s32 s0, s2;
	s2 =	simm.s32 $0x0  }
.LBB2_1:
0x1a: {  	s0 =	simm.s32 $0x0;
	s21 =	simm.s32 $0x200  }
.LBB2_2:
0x1b: {  	p1 =	sne.s32 s21, $0xF800;
	[tilespmem:s0+$0x8F70] =	vst v0  }
0x1c: {  	[tilespmem:s0+$0x8F00] =	vst v0  }
0x1d: {  	[tilespmem:s0+$0x8F10] =	vst v0  }
.Ltmp0:
0x1e: {  	[tilespmem:s0+$0x8F20] =	vst v0;
	(pc) =	sbr.rel @p1 .LBB2_2-.Ltmp0, $4  }
0x1f: {  	[tilespmem:s0+$0x8F30] =	vst v0  }
0x20: {  	[tilespmem:s0+$0x8F40] =	vst v0  }
0x21: {  	[tilespmem:s0+$0x8F50] =	vst v0  }
0x22: {  	[tilespmem:s0+$0x8F60] =	vst v0;
	s0 =	sshra.s32 s21, $0x2;
	s21 =	sadd.s32 $0x200, s21  }
0x23: {  	[tilespmem:s0+$0x8F70] =	vst v0  }
0x24: {  	[tilespmem:s0+$0x8F00] =	vst v0  }
0x25: {  	[tilespmem:s0+$0x8F10] =	vst v0  }
0x26: {  	[tilespmem:s0+$0x8F20] =	vst v0  }
0x27: {  	[tilespmem:s0+$0x8F30] =	vst v0  }
0x28: {  	[tilespmem:s0+$0x8F40] =	vst v0  }
0x29: {  	[tilespmem:s0+$0x8F50] =	vst v0  }
0x2a: {  	[tilespmem:s0+$0x8F60] =	vst v0;
	s0 =	simm.s32 $0x8F00;
	s21 =	sadd.s32 $0x0, s10  }
0x2b: {  	[spmem:s21] =	stream.linear.scatter [tilespmem:s0], [sflag:$0x3], $0x40, $0x38;
	[tilespmem:$0x169C0] =	vst v63  }
0x2c: {  	s21 =	simm.s32 $0x100  }
.LBB2_4:
0x2d: {  	p1 =	sne.s32 s21, $0x7C00  }
.Ltmp1:
0x2e: {  	_ = 	snop;
	(pc) =	sbr.rel @p1 .LBB2_4-.Ltmp1, $4  }
0x2f: {  	_ = 	snop  }
0x30: {  	s28 =	sshra.s32 s21, $0x2;
	s21 =	sadd.s32 $0x100, s21  }
0x31: {  	s0 =	sadd.s32 $0x80, s0;
	s28 =	sadd.s32 s28, s10  }
0x32: {  	[spmem:s28] =	stream.linear.scatter [tilespmem:s0], [sflag:$0x3], $0x40, $0x38;
	[tilespmem:$0x169C0] =	vst v63  }
0x33: {  	_ =	swait.ge [sflag:s20], $0x1F40  }
0x34: {  	[sflag:s20] =	ssyncset.done $0x0  }
0x35: {  	s0 =	simm.s32 $0x8F00;
	s21 =	sadd.s32 $0x0, s11;
	[sflag:s20] =	ssyncadd.s32 $0xFFFFE0C0  }
0x36: {  	[spmem:s21] =	stream.linear.scatter [tilespmem:s0], [sflag:$0x3], $0x40, $0x38;
	[tilespmem:$0x169C0] =	vst v63  }
0x37: {  	s21 =	simm.s32 $0x100  }
.LBB2_6:
0x38: {  	p1 =	sne.s32 s21, $0x7C00  }
.Ltmp2:
0x39: {  	_ = 	snop;
	(pc) =	sbr.rel @p1 .LBB2_6-.Ltmp2, $4  }
0x3a: {  	_ = 	snop  }
0x3b: {  	s28 =	sshra.s32 s21, $0x2;
	s21 =	sadd.s32 $0x100, s21  }
0x3c: {  	s0 =	sadd.s32 $0x80, s0;
	s28 =	sadd.s32 s28, s11  }
0x3d: {  	[spmem:s28] =	stream.linear.scatter [tilespmem:s0], [sflag:$0x3], $0x40, $0x38;
	[tilespmem:$0x169C0] =	vst v63  }
0x3e: {  	_ =	swait.ge [sflag:s20], $0x1F40  }
0x3f: {  	[sflag:s20] =	ssyncset.done $0x0  }
0x40: {  	s0 =	simm.s32 $0x8F00;
	s21 =	sadd.s32 $0x0, s12;
	[sflag:s20] =	ssyncadd.s32 $0xFFFFE0C0  }
0x41: {  	[spmem:s21] =	stream.linear.scatter [tilespmem:s0], [sflag:$0x3], $0x40, $0x38;
	[tilespmem:$0x169C0] =	vst v63  }
0x42: {  	s21 =	simm.s32 $0x100  }
.LBB2_8:
0x43: {  	p1 =	sne.s32 s21, $0x7C00  }
.Ltmp3:
0x44: {  	_ = 	snop;
	(pc) =	sbr.rel @p1 .LBB2_8-.Ltmp3, $4  }
0x45: {  	_ = 	snop  }
0x46: {  	s28 =	sshra.s32 s21, $0x2;
	s21 =	sadd.s32 $0x100, s21  }
0x47: {  	s0 =	sadd.s32 $0x80, s0;
	s28 =	sadd.s32 s28, s12  }
0x48: {  	[spmem:s28] =	stream.linear.scatter [tilespmem:s0], [sflag:$0x3], $0x40, $0x38;
	[tilespmem:$0x169C0] =	vst v63  }
0x49: {  	_ =	swait.ge [sflag:s20], $0x1F40  }
0x4a: {  	[sflag:s20] =	ssyncset.done $0x0  }
0x4b: {  	s0 =	simm.s32 $0x8F00;
	s21 =	sadd.s32 $0x0, s13;
	[sflag:s20] =	ssyncadd.s32 $0xFFFFE0C0  }
0x4c: {  	[spmem:s21] =	stream.linear.scatter [tilespmem:s0], [sflag:$0x3], $0x40, $0x38;
	[tilespmem:$0x169C0] =	vst v63  }
0x4d: {  	s21 =	simm.s32 $0x100  }
.LBB2_10:
0x4e: {  	p1 =	sne.s32 s21, $0x7C00  }
.Ltmp4:
0x4f: {  	_ = 	snop;
	(pc) =	sbr.rel @p1 .LBB2_10-.Ltmp4, $4  }
0x50: {  	_ = 	snop  }
0x51: {  	s28 =	sshra.s32 s21, $0x2;
	s21 =	sadd.s32 $0x100, s21  }
0x52: {  	s0 =	sadd.s32 $0x80, s0;
	s28 =	sadd.s32 s28, s13  }
0x53: {  	[spmem:s28] =	stream.linear.scatter [tilespmem:s0], [sflag:$0x3], $0x40, $0x38;
	[tilespmem:$0x169C0] =	vst v63  }
0x54: {  	_ =	swait.ge [sflag:s20], $0x1F40  }
0x55: {  	[sflag:s20] =	ssyncset.done $0x0  }
0x56: {  	s0 =	simm.s32 $0x8F00;
	s21 =	sadd.s32 $0x0, s14;
	[sflag:s20] =	ssyncadd.s32 $0xFFFFE0C0  }
0x57: {  	[spmem:s21] =	stream.linear.scatter [tilespmem:s0], [sflag:$0x3], $0x40, $0x38;
	[tilespmem:$0x169C0] =	vst v63  }
0x58: {  	s21 =	simm.s32 $0x100  }
.LBB2_12:
0x59: {  	p1 =	sne.s32 s21, $0x7C00  }
.Ltmp5:
0x5a: {  	_ = 	snop;
	(pc) =	sbr.rel @p1 .LBB2_12-.Ltmp5, $4  }
0x5b: {  	_ = 	snop  }
0x5c: {  	s28 =	sshra.s32 s21, $0x2;
	s21 =	sadd.s32 $0x100, s21  }
0x5d: {  	s0 =	sadd.s32 $0x80, s0;
	s28 =	sadd.s32 s28, s14  }
0x5e: {  	[spmem:s28] =	stream.linear.scatter [tilespmem:s0], [sflag:$0x3], $0x40, $0x38;
	[tilespmem:$0x169C0] =	vst v63  }
0x5f: {  	_ =	swait.ge [sflag:s20], $0x1F40  }
0x60: {  	[sflag:s20] =	ssyncset.done $0x0  }
0x61: {  	[sflag:s20] =	ssyncadd.s32 $0xFFFFE0C0  }
0x62: {  	[tilespmem:s4], [sflag:$0x3] =	stream.linear.gather [hbm4b:s5+s4], $0x2700, $0x38;
	[tilespmem:$0x169C0] =	vst v63  }
0x63: {  	_ =	swait.ge [sflag:s20], $0x2700  }
0x64: {  	[sflag:s20] =	ssyncset.done $0x0  }
0x65: {  	s0 =	simm.s32 $0x2700;
	[sflag:s20] =	ssyncadd.s32 $0xFFFFD900  }
0x66: {  	[tilespmem:s0], [sflag:$0x3] =	stream.linear.gather [hbm4b:s6+s4], $0x2700, $0x38;
	[tilespmem:$0x169C0] =	vst v63  }
0x67: {  	_ =	swait.ge [sflag:s20], $0x2700  }
0x68: {  	[sflag:s20] =	ssyncset.done $0x0  }
0x69: {  	s21 =	simm.s32 @!p0 $0x4E00;
	s0 =	simm.s32 @!p0 $0x0;
	[sflag:s20] =	ssyncadd.s32 $0xFFFFD900  }
0x6a: {  	[tilespmem:s21], [sflag:$0x3] =	stream.linear.gather @!p0 [hbm4b:s7+s0], $0x80, $0x38;
	[tilespmem:$0x169C0] =	vst v63  }
0x6b: {  	s21 =	simm.s32 @!p0 $0x3  }
0x6c: {  	_ =	swait.ge @!p0 [sflag:s21], $0x80  }
0x6d: {  	[sflag:s21] =	ssyncset.done @!p0 $0x0  }
0x6e: {  	s28 =	simm.s32 @!p0 $0x4E80;
	[sflag:s21] =	ssyncadd.s32 @!p0 $0xFFFFFF80  }
0x6f: {  	[tilespmem:s28], [sflag:$0x3] =	stream.linear.gather @!p0 [hbm4b:s8+s0], $0x80, $0x38;
	[tilespmem:$0x169C0] =	vst v63  }
0x70: {  	_ =	swait.ge @!p0 [sflag:s21], $0x80  }
0x71: {  	[sflag:s21] =	ssyncset.done @!p0 $0x0  }
0x72: {  	[sflag:s21] =	ssyncadd.s32 @!p0 $0xFFFFFF80  }
0x73: {  	s30 =	simm.s32 $0x0;
	[bflag:$0x0] =	sbarrier.arrive $0xFFFF  }
0x74: {  	[tilespmem:s23], [sflag:$0x1] =	stream.indirect.gather [hbm4b:s1+s22], $0x40, s30, s22, $0xb8;
	[tilespmem:$0x169C0] =	vst v63  }
0x75: {  	s21 =	simm.s32 $0x80  }
0x76: {  	[tilespmem:s24], [sflag:$0x2] =	stream.indirect.gather [hbm4b:s1+s22], $0x40, s21, s22, $0xb8;
	[tilespmem:$0x169C0] =	vst v63  }
0x77: {  	_ =	swait.ge [sflag:s25], $0x2000  }
0x78: {  	[sflag:s25] =	ssyncset.done $0x0  }
0x79: {  	s28 =	simm.s32 $0x2700;
	[sflag:s25] =	ssyncadd.s32 $0xFFFFE000  }
0x7a: {  	[spmem:s3] =	stream.indirect.scatter.add.f32 [tilespmem:s23], [sflag:$0x3], $0x40, s28, s22, $0xb8;
	[tilespmem:$0x169C0] =	vst v63  }
0x7b: {  	_ =	swait.ge [sflag:s20], $0x2000  }
0x7c: {  	[sflag:s20] =	ssyncset.done $0x0  }
0x7d: {  	s29 =	simm.s32 $0x100;
	[sflag:s20] =	ssyncadd.s32 $0xFFFFE000  }
0x7e: {  	[tilespmem:s23], [sflag:$0x1] =	stream.indirect.gather [hbm4b:s1+s22], $0x40, s29, s22, $0xb8;
	[tilespmem:$0x169C0] =	vst v63  }
0x7f: {  	_ =	swait.ge [sflag:s26], $0x2000  }
0x80: {  	[sflag:s26] =	ssyncset.done $0x0  }
0x81: {  	s30 =	simm.s32 $0x2780;
	[sflag:s26] =	ssyncadd.s32 $0xFFFFE000  }
0x82: {  	[spmem:s3] =	stream.indirect.scatter.add.f32 [tilespmem:s24], [sflag:$0x3], $0x40, s30, s22, $0xb8;
	[tilespmem:$0x169C0] =	vst v63  }
0x83: {  	_ =	swait.ge [sflag:s20], $0x2000  }
0x84: {  	s0 =	simm.s32 $0x100;
	s21 =	simm.s32 $0x800;
	[sflag:s20] =	ssyncset.done $0x0  }
.LBB2_14:
0x85: {  	s28 =	sadd.s32 $0x80, s0  }
0x86: {  	[sflag:s20] =	ssyncadd.s32 $0xFFFFE000;
	s29 =	smov.u32 s21;
	s30 =	sadd.s32 $0x400, s21  }
0x87: {  	[tilespmem:s24], [sflag:$0x2] =	stream.indirect.gather [hbm4b:s1+s22], $0x40, s28, s22, $0xb8;
	[tilespmem:$0x169C0] =	vst v63  }
0x88: {  	p1 =	sne.s32 s21, $0x9400;
	_ =	swait.ge [sflag:s25], $0x2000  }
0x89: {  	[sflag:s25] =	ssyncset.done $0x0  }
0x8a: {  	s21 =	sadd.s32 $0x2700, s0;
	[sflag:s25] =	ssyncadd.s32 $0xFFFFE000  }
0x8b: {  	[spmem:s3] =	stream.indirect.scatter.add.f32 [tilespmem:s23], [sflag:$0x3], $0x40, s21, s22, $0xb8;
	[tilespmem:$0x169C0] =	vst v63  }
0x8c: {  	_ =	swait.ge [sflag:s20], $0x2000  }
0x8d: {  	[sflag:s20] =	ssyncset.done $0x0  }
0x8e: {  	s21 =	sadd.s32 $0x100, s0;
	[sflag:s20] =	ssyncadd.s32 $0xFFFFE000  }
0x8f: {  	[tilespmem:s23], [sflag:$0x1] =	stream.indirect.gather [hbm4b:s1+s22], $0x40, s21, s22, $0xb8;
	[tilespmem:$0x169C0] =	vst v63  }
0x90: {  	_ =	swait.ge [sflag:s26], $0x2000  }
.Ltmp6:
0x91: {  	[sflag:s26] =	ssyncset.done $0x0;
	(pc) =	sbr.rel @p1 .LBB2_14-.Ltmp6, $4  }
0x92: {  	s0 =	sadd.s32 $0x2780, s0;
	[sflag:s26] =	ssyncadd.s32 $0xFFFFE000  }
0x93: {  	[spmem:s3] =	stream.indirect.scatter.add.f32 [tilespmem:s24], [sflag:$0x3], $0x40, s0, s22, $0xb8;
	[tilespmem:$0x169C0] =	vst v63  }
0x94: {  	_ =	swait.ge [sflag:s20], $0x2000  }
0x95: {  	s21 =	smov.u32 s30;
	s0 =	sshra.s32 s29, $0x2;
	[sflag:s20] =	ssyncset.done $0x0  }
0x96: {  	s21 =	sadd.s32 $0x80, s0;
	[sflag:s20] =	ssyncadd.s32 $0xFFFFE000  }
0x97: {  	[tilespmem:s24], [sflag:$0x2] =	stream.indirect.gather [hbm4b:s1+s22], $0x40, s21, s22, $0xb8;
	[tilespmem:$0x169C0] =	vst v63  }
0x98: {  	_ =	swait.ge [sflag:s25], $0x2000  }
0x99: {  	[sflag:s25] =	ssyncset.done $0x0  }
0x9a: {  	s28 =	sadd.s32 $0x2700, s0;
	[sflag:s25] =	ssyncadd.s32 $0xFFFFE000  }
0x9b: {  	[spmem:s3] =	stream.indirect.scatter.add.f32 [tilespmem:s23], [sflag:$0x3], $0x40, s28, s22, $0xb8;
	[tilespmem:$0x169C0] =	vst v63  }
0x9c: {  	_ =	swait.ge [sflag:s20], $0x2000  }
0x9d: {  	[sflag:s20] =	ssyncset.done $0x0  }
0x9e: {  	s29 =	sadd.s32 $0x100, s0;
	[sflag:s20] =	ssyncadd.s32 $0xFFFFE000  }
0x9f: {  	[tilespmem:s23], [sflag:$0x1] =	stream.indirect.gather [hbm4b:s1+s22], $0x40, s29, s22, $0xb8;
	[tilespmem:$0x169C0] =	vst v63  }
0xa0: {  	_ =	swait.ge [sflag:s26], $0x2000  }
0xa1: {  	[sflag:s26] =	ssyncset.done $0x0  }
0xa2: {  	s30 =	sadd.s32 $0x2780, s0;
	[sflag:s26] =	ssyncadd.s32 $0xFFFFE000  }
0xa3: {  	[spmem:s3] =	stream.indirect.scatter.add.f32 [tilespmem:s24], [sflag:$0x3], $0x40, s30, s22, $0xb8;
	[tilespmem:$0x169C0] =	vst v63  }
0xa4: {  	_ =	swait.ge [sflag:s20], $0x2000  }
0xa5: {  	[sflag:s20] =	ssyncset.done $0x0  }
0xa6: {  	s21 =	simm.s32 $0x2680;
	[sflag:s20] =	ssyncadd.s32 $0xFFFFE000  }
0xa7: {  	[tilespmem:s24], [sflag:$0x2] =	stream.indirect.gather [hbm4b:s1+s22], $0x40, s21, s22, $0xb8;
	[tilespmem:$0x169C0] =	vst v63  }
0xa8: {  	_ =	swait.ge [sflag:s25], $0x2000  }
0xa9: {  	[sflag:s25] =	ssyncset.done $0x0  }
0xaa: {  	s28 =	simm.s32 $0x4D00;
	[sflag:s25] =	ssyncadd.s32 $0xFFFFE000  }
0xab: {  	[spmem:s3] =	stream.indirect.scatter.add.f32 [tilespmem:s23], [sflag:$0x3], $0x40, s28, s22, $0xb8;
	[tilespmem:$0x169C0] =	vst v63  }
0xac: {  	_ =	swait.ge [sflag:s20], $0x2000  }
0xad: {  	[sflag:s20] =	ssyncset.done $0x0  }
0xae: {  	[sflag:s20] =	ssyncadd.s32 $0xFFFFE000  }
0xaf: {  	_ =	swait.ge [sflag:s26], $0x2000  }
0xb0: {  	[sflag:s26] =	ssyncset.done $0x0  }
0xb1: {  	s29 =	simm.s32 $0x4D80;
	[sflag:s26] =	ssyncadd.s32 $0xFFFFE000  }
0xb2: {  	[spmem:s3] =	stream.indirect.scatter.add.f32 [tilespmem:s24], [sflag:$0x3], $0x40, s29, s22, $0xb8;
	[tilespmem:$0x169C0] =	vst v63  }
0xb3: {  	_ =	swait.ge [sflag:s20], $0x2000  }
0xb4: {  	s0 =	simm.s32 @!p0 $0x80;
	[sflag:s20] =	ssyncset.done $0x0  }
0xb5: {  	s21 =	simm.s32 @!p0 $0x4E00;
	s28 =	simm.s32 @!p0 $0x4F00;
	[sflag:s20] =	ssyncadd.s32 $0xFFFFE000  }
0xb6: {  	[tilespmem:s28], [sflag:$0x1] =	stream.indirect.gather @!p0 [hbm4b:s1+s0], $0x40, s21, s0, $0xb8;
	[tilespmem:$0x169C0] =	vst v63  }
0xb7: {  	s21 =	simm.s32 @!p0 $0x1  }
0xb8: {  	_ =	swait.ge @!p0 [sflag:s21], $0x2000  }
0xb9: {  	[sflag:s21] =	ssyncset.done @!p0 $0x0  }
0xba: {  	[sflag:s21] =	ssyncadd.s32 @!p0 $0xFFFFE000;
	s21 =	simm.s32 @!p0 $0x4E80  }
0xbb: {  	[spmem:s3] =	stream.indirect.scatter.add.f32 @!p0 [tilespmem:s28], [sflag:$0x3], $0x40, s21, s0, $0xb8;
	[tilespmem:$0x169C0] =	vst v63  }
0xbc: {  	s0 =	simm.s32 @!p0 $0x3  }
0xbd: {  	_ =	swait.ge @!p0 [sflag:s0], $0x2000  }
0xbe: {  	[sflag:s0] =	ssyncset.done @!p0 $0x0  }
0xbf: {  	s30 =	sadd.s32 $0x0, s10;
	[sflag:s0] =	ssyncadd.s32 @!p0 $0xFFFFE000  }
0xc0: {  	s21 =	simm.s32 $0x100;
	s0 =	simm.s32 $0x8F00;
	[bflag:$0x0] =	sbarrier.arrive $0xFFFF  }
0xc1: {  	[tilespmem:s0], [sflag:$0x3] =	stream.linear.gather [spmem:s30], $0x40, $0x38;
	[tilespmem:$0x169C0] =	vst v63  }
.LBB2_16:
0xc2: {  	p1 =	sne.s32 s21, $0x7C00  }
.Ltmp7:
0xc3: {  	_ = 	snop;
	(pc) =	sbr.rel @p1 .LBB2_16-.Ltmp7, $4  }
0xc4: {  	_ = 	snop  }
0xc5: {  	s28 =	sshra.s32 s21, $0x2;
	s21 =	sadd.s32 $0x100, s21  }
0xc6: {  	s0 =	sadd.s32 $0x80, s0;
	s28 =	sadd.s32 s28, s10  }
0xc7: {  	[tilespmem:s0], [sflag:$0x3] =	stream.linear.gather [spmem:s28], $0x40, $0x38;
	[tilespmem:$0x169C0] =	vst v63  }
0xc8: {  	_ =	swait.ge [sflag:s20], $0x1F40  }
0xc9: {  	[sflag:s20] =	ssyncset.done $0x0  }
0xca: {  	s21 =	simm.s32 $0x0;
	s0 =	simm.s32 $0x8F00;
	[sflag:s20] =	ssyncadd.s32 $0xFFFFE0C0  }
0xcb: {  	[hbm4b:s15+s21] =	stream.linear.scatter [tilespmem:s0], [sflag:$0x3], $0x3E80, $0x38;
	[tilespmem:$0x169C0] =	vst v63  }
0xcc: {  	_ =	swait.ge [sflag:s20], $0x3E80  }
0xcd: {  	[sflag:s20] =	ssyncset.done $0x0  }
0xce: {  	s30 =	sadd.s32 $0x0, s11;
	s21 =	simm.s32 $0x100;
	[sflag:s20] =	ssyncadd.s32 $0xFFFFC180  }
0xcf: {  	[tilespmem:s0], [sflag:$0x3] =	stream.linear.gather [spmem:s30], $0x40, $0x38;
	[tilespmem:$0x169C0] =	vst v63  }
.LBB2_18:
0xd0: {  	p1 =	sne.s32 s21, $0x7C00  }
.Ltmp8:
0xd1: {  	_ = 	snop;
	(pc) =	sbr.rel @p1 .LBB2_18-.Ltmp8, $4  }
0xd2: {  	_ = 	snop  }
0xd3: {  	s28 =	sshra.s32 s21, $0x2;
	s21 =	sadd.s32 $0x100, s21  }
0xd4: {  	s0 =	sadd.s32 $0x80, s0;
	s28 =	sadd.s32 s28, s11  }
0xd5: {  	[tilespmem:s0], [sflag:$0x3] =	stream.linear.gather [spmem:s28], $0x40, $0x38;
	[tilespmem:$0x169C0] =	vst v63  }
0xd6: {  	_ =	swait.ge [sflag:s20], $0x1F40  }
0xd7: {  	[sflag:s20] =	ssyncset.done $0x0  }
0xd8: {  	s21 =	simm.s32 $0x0;
	s0 =	simm.s32 $0x8F00;
	[sflag:s20] =	ssyncadd.s32 $0xFFFFE0C0  }
0xd9: {  	[hbm4b:s16+s21] =	stream.linear.scatter [tilespmem:s0], [sflag:$0x3], $0x3E80, $0x38;
	[tilespmem:$0x169C0] =	vst v63  }
0xda: {  	_ =	swait.ge [sflag:s20], $0x3E80  }
0xdb: {  	[sflag:s20] =	ssyncset.done $0x0  }
0xdc: {  	s30 =	sadd.s32 $0x0, s12;
	s21 =	simm.s32 $0x100;
	[sflag:s20] =	ssyncadd.s32 $0xFFFFC180  }
0xdd: {  	[tilespmem:s0], [sflag:$0x3] =	stream.linear.gather [spmem:s30], $0x40, $0x38;
	[tilespmem:$0x169C0] =	vst v63  }
.LBB2_20:
0xde: {  	p1 =	sne.s32 s21, $0x7C00  }
.Ltmp9:
0xdf: {  	_ = 	snop;
	(pc) =	sbr.rel @p1 .LBB2_20-.Ltmp9, $4  }
0xe0: {  	_ = 	snop  }
0xe1: {  	s28 =	sshra.s32 s21, $0x2;
	s21 =	sadd.s32 $0x100, s21  }
0xe2: {  	s0 =	sadd.s32 $0x80, s0;
	s28 =	sadd.s32 s28, s12  }
0xe3: {  	[tilespmem:s0], [sflag:$0x3] =	stream.linear.gather [spmem:s28], $0x40, $0x38;
	[tilespmem:$0x169C0] =	vst v63  }
0xe4: {  	_ =	swait.ge [sflag:s20], $0x1F40  }
0xe5: {  	[sflag:s20] =	ssyncset.done $0x0  }
0xe6: {  	s21 =	simm.s32 $0x0;
	s0 =	simm.s32 $0x8F00;
	[sflag:s20] =	ssyncadd.s32 $0xFFFFE0C0  }
0xe7: {  	[hbm4b:s17+s21] =	stream.linear.scatter [tilespmem:s0], [sflag:$0x3], $0x3E80, $0x38;
	[tilespmem:$0x169C0] =	vst v63  }
0xe8: {  	_ =	swait.ge [sflag:s20], $0x3E80  }
0xe9: {  	[sflag:s20] =	ssyncset.done $0x0  }
0xea: {  	s30 =	sadd.s32 $0x0, s13;
	s21 =	simm.s32 $0x100;
	[sflag:s20] =	ssyncadd.s32 $0xFFFFC180  }
0xeb: {  	[tilespmem:s0], [sflag:$0x3] =	stream.linear.gather [spmem:s30], $0x40, $0x38;
	[tilespmem:$0x169C0] =	vst v63  }
.LBB2_22:
0xec: {  	p1 =	sne.s32 s21, $0x7C00  }
.Ltmp10:
0xed: {  	_ = 	snop;
	(pc) =	sbr.rel @p1 .LBB2_22-.Ltmp10, $4  }
0xee: {  	_ = 	snop  }
0xef: {  	s28 =	sshra.s32 s21, $0x2;
	s21 =	sadd.s32 $0x100, s21  }
0xf0: {  	s0 =	sadd.s32 $0x80, s0;
	s28 =	sadd.s32 s28, s13  }
0xf1: {  	[tilespmem:s0], [sflag:$0x3] =	stream.linear.gather [spmem:s28], $0x40, $0x38;
	[tilespmem:$0x169C0] =	vst v63  }
0xf2: {  	_ =	swait.ge [sflag:s20], $0x1F40  }
0xf3: {  	[sflag:s20] =	ssyncset.done $0x0  }
0xf4: {  	s21 =	simm.s32 $0x0;
	s0 =	simm.s32 $0x8F00;
	[sflag:s20] =	ssyncadd.s32 $0xFFFFE0C0  }
0xf5: {  	[hbm4b:s18+s21] =	stream.linear.scatter [tilespmem:s0], [sflag:$0x3], $0x3E80, $0x38;
	[tilespmem:$0x169C0] =	vst v63  }
0xf6: {  	_ =	swait.ge [sflag:s20], $0x3E80  }
0xf7: {  	[sflag:s20] =	ssyncset.done $0x0  }
0xf8: {  	s30 =	sadd.s32 $0x0, s14;
	s21 =	simm.s32 $0x100;
	[sflag:s20] =	ssyncadd.s32 $0xFFFFC180  }
0xf9: {  	[tilespmem:s0], [sflag:$0x3] =	stream.linear.gather [spmem:s30], $0x40, $0x38;
	[tilespmem:$0x169C0] =	vst v63  }
.LBB2_24:
0xfa: {  	p1 =	sne.s32 s21, $0x7C00  }
.Ltmp11:
0xfb: {  	_ = 	snop;
	(pc) =	sbr.rel @p1 .LBB2_24-.Ltmp11, $4  }
0xfc: {  	_ = 	snop  }
0xfd: {  	s28 =	sshra.s32 s21, $0x2;
	s21 =	sadd.s32 $0x100, s21  }
0xfe: {  	s0 =	sadd.s32 $0x80, s0;
	s28 =	sadd.s32 s28, s14  }
0xff: {  	[tilespmem:s0], [sflag:$0x3] =	stream.linear.gather [spmem:s28], $0x40, $0x38;
	[tilespmem:$0x169C0] =	vst v63  }
0x100: {  	_ =	swait.ge [sflag:s20], $0x1F40;
	s2 =	sadd.s32 $0x1, s2  }
0x101: {  	[sflag:s20] =	ssyncset.done $0x0;
	p1 =	sne.s32 s2, s9  }
.Ltmp12:
0x102: {  	[sflag:s20] =	ssyncadd.s32 $0xFFFFE0C0;
	(pc) =	sbr.rel @p1 .LBB2_1-.Ltmp12, $4  }
0x103: {  	[hbm4b:s19+s4] =	stream.linear.scatter [tilespmem:s31], [sflag:$0x3], $0x3E80, $0x38;
	[tilespmem:$0x169C0] =	vst v63  }
0x104: {  	_ =	swait.ge [sflag:s20], $0x3E80  }
0x105: {  	[sflag:s20] =	ssyncset.done $0x0  }
0x106: {  	[sflag:s20] =	ssyncadd.s32 $0xFFFFC180  }
0x107: {  	_ =	sfence.sel $0x180000  }
0x108: {  	[bflag:$0x0] =	sbarrier.arrive $0xFFFF  }
0x109: {  	_ =	strace $0x90000047  }
0x10a: {  	s0 =	stileid.u32;
	[bflag:$0x2] =	sbarrier.arrive $0xFFFF  }
0x10b: {  	p0 =	sne.s32 s0, $0x0;
	s0 =	rddreg [dreg:$0x3]  }
0x10c: {  	s0 =	sadd.s32 @!p0 $0x100000, s0  }
0x10d: {  	[sflag:s0] =	ssyncadd.tile.s32 @!p0 $0x1;
	_ =	shalt  }
.Lfunc_end2:
_tile_overlayer_lowered:
.L_overlay_start_2:
0x10e: {  	(tag) =	ssettag $0x2  }
0x10f: {  	s0 =	rddreg [dreg:$0x0];
	s2 =	stileid.u32  }
0x110: {  	s1 =	rddreg [dreg:$0x1];
	p0 =	sne.s32 s2, $0x0  }
0x111: {  	s3 =	rddreg [dreg:$0x2];
	[bflag:$0x3] =	sbarrier.arrive $0xFFFF;
	s2 =	simm.s32 @!p0 $0x1C03  }
0x112: {  	[timem:s3], [sflag:s2] =	dma.local @!p0 [hbm:s0], s1  }
0x113: {  	s0 =	simm.s32 @!p0 $0x3  }
0x114: {  	_ =	swait.ge @!p0 [sflag:s0], s1  }
0x115: {  	s1 =	ssub.s32 @!p0 $0x0, s1;
	[sflag:s0] =	ssyncset.done @!p0 $0x0  }
0x116: {  	[sflag:s0] =	ssyncadd.s32 @!p0 s1  }
0x117: {  	[bflag:$0x3] =	sbarrier.arrive $0xFFFF  }
0x118: {  	_ =	shalt  }

</sc_bundles>
